<compile_context>
chip_gen: v7x
topology: tpu7x:2x2x1
jax: 0.10.2.dev20260603
libtpu: 0.0.44.dev20260713+nightly
codegen_flags: <defaults>
</compile_context>

<pallas_src>
import functools

import jax
import jax.numpy as jnp
from jax import lax
from jax.experimental import pallas as pl
from jax.experimental.pallas import tpu as pltpu
from jax.experimental.pallas import tpu_sc as plsc

B = 16384
HID = 128
N_SING = 417
N_GEN = 18
SING_PAD = 512
GEN_PAD = 128

NPHASE = 1
BP = B // NPHASE
NC = 2
NS = 16
NW = NC * NS
BPW = BP // NW
CH = 128
NCH = BPW // CH
LOOKAHEAD = 2

_sc_mesh = plsc.VectorSubcoreMesh(core_axis_name="c", subcore_axis_name="s")


def _sc_gather_body(mid_h, emus_h, out_m, idx_v, bufs, sems):
    wid = lax.axis_index("s") * NC + lax.axis_index("c")
    pltpu.sync_copy(mid_h.at[pl.ds(wid * NCH, NCH)], idx_v)
    gh = {}
    wh = {}
    for k in range(NCH + LOOKAHEAD):
        if k < NCH:
            gh[k] = pltpu.async_copy(emus_h.at[idx_v.at[k]],
                                     bufs.at[k], sems.at[k])
        kp = k - LOOKAHEAD
        if kp >= 0:
            gh[kp].wait()
            wh[kp] = pltpu.async_copy(
                bufs.at[kp], out_m.at[pl.ds(wid * BPW + kp * CH, CH)],
                sems.at[kp])
    for k in range(NCH):
        wh[k].wait()


@functools.partial(
    pl.kernel,
    out_type=jax.ShapeDtypeStruct((BP, HID), jnp.float32),
    mesh=_sc_mesh,
    scratch_types=[
        pltpu.VMEM((NCH, CH), jnp.int32),
        pltpu.VMEM((NCH, CH, HID), jnp.float32),
        pltpu.SemaphoreType.DMA((NCH,)),
    ],
)
def _sc_gather(*args):
    _sc_gather_body(*args)


_DOTT = (((0,), (0,)), ((), ()))


def _tc_body(feat_ref, memb_ref, sing_idx_ref, gen_idx_ref,
             wf_ref, bf_ref, est_ref, egt_ref, wout_ref, bo_ref, out_ref,
             singt_ref, gent_ref, wf2_ref, bias2_ref):
    blk = feat_ref.shape[0]
    ng = blk // CH

    @pl.when(pl.program_id(0) == 0)
    def _prep():
        w2 = wout_ref[HID:2 * HID, :]
        wf2_ref[:] = jnp.dot(wf_ref[:], w2,
                             preferred_element_type=jnp.float32)
        bias2_ref[:] = (jnp.dot(bf_ref[:], w2,
                                preferred_element_type=jnp.float32)
                        + bo_ref[:])
    for g in range(ng):
        idx_s = sing_idx_ref[pl.ds(g, 1), :]
        oht = (jnp.broadcast_to(idx_s, (SING_PAD, CH)) ==
               lax.broadcasted_iota(jnp.int32, (SING_PAD, CH), 0)
               ).astype(jnp.bfloat16)
        singt_ref[:, pl.ds(g * CH, CH)] = jnp.dot(
            est_ref[:], oht, preferred_element_type=jnp.float32)
        idx_g = gen_idx_ref[pl.ds(g, 1), :]
        ohtg = (jnp.broadcast_to(idx_g, (GEN_PAD, CH)) ==
                lax.broadcasted_iota(jnp.int32, (GEN_PAD, CH), 0)
                ).astype(jnp.bfloat16)
        gent_ref[:, pl.ds(g * CH, CH)] = jnp.dot(
            egt_ref[:], ohtg, preferred_element_type=jnp.float32)
    acc = jnp.dot(memb_ref[:], wout_ref[0:HID, :],
                  preferred_element_type=jnp.float32)
    acc = acc + jnp.dot(feat_ref[:], wf2_ref[:],
                        preferred_element_type=jnp.float32)
    acc = acc + lax.dot_general(singt_ref[:], wout_ref[2 * HID:3 * HID, :],
                                _DOTT, preferred_element_type=jnp.float32)
    acc = acc + lax.dot_general(gent_ref[:], wout_ref[3 * HID:4 * HID, :],
                                _DOTT, preferred_element_type=jnp.float32)
    out_ref[:] = acc + bias2_ref[:]


BLK = 2048


def _tc_phase(feat_p, memb_p, sing_p, gen_p,
              W_feat, b_feat2, est, egt, W_out, b_out2):
    grid = (BP // BLK,)
    row_spec = pl.BlockSpec((BLK, HID), lambda i: (i, 0))
    idx_spec = pl.BlockSpec((BLK // CH, CH), lambda i: (i, 0))
    return pl.pallas_call(
        _tc_body,
        grid=grid,
        in_specs=[
            row_spec,
            row_spec,
            idx_spec,
            idx_spec,
            pl.BlockSpec((HID, HID), lambda i: (0, 0)),
            pl.BlockSpec((1, HID), lambda i: (0, 0)),
            pl.BlockSpec((HID, SING_PAD), lambda i: (0, 0)),
            pl.BlockSpec((HID, GEN_PAD), lambda i: (0, 0)),
            pl.BlockSpec((4 * HID, 2 * HID), lambda i: (0, 0)),
            pl.BlockSpec((1, 2 * HID), lambda i: (0, 0)),
        ],
        out_specs=pl.BlockSpec((BLK, 2 * HID), lambda i: (i, 0)),
        out_shape=jax.ShapeDtypeStruct((BP, 2 * HID), jnp.float32),
        scratch_shapes=[
            pltpu.VMEM((HID, BLK), jnp.float32),
            pltpu.VMEM((HID, BLK), jnp.float32),
            pltpu.VMEM((HID, 2 * HID), jnp.float32),
            pltpu.VMEM((1, 2 * HID), jnp.float32),
        ],
    )(feat_p, memb_p, sing_p, gen_p, W_feat, b_feat2, est, egt, W_out, b_out2)


def kernel(features, lyric, singer, genre, mid,
           W_feat, b_feat, E_sing, E_gen, E_mus, W_out, b_out):
    del lyric
    mid_i = mid.astype(jnp.int32).reshape(B // CH, CH)
    sing_i = singer.astype(jnp.int32).reshape(B // CH, CH)
    gen_i = genre.astype(jnp.int32).reshape(B // CH, CH)

    est = jnp.zeros((HID, SING_PAD), jnp.bfloat16).at[:, :N_SING].set(
        E_sing.T.astype(jnp.bfloat16))
    egt = jnp.zeros((HID, GEN_PAD), jnp.bfloat16).at[:, :N_GEN].set(
        E_gen.T.astype(jnp.bfloat16))
    b_feat2 = b_feat.reshape(1, HID)
    b_out2 = b_out.reshape(1, 2 * HID)

    rpc = BP // CH
    membs = [_sc_gather(lax.dynamic_slice_in_dim(mid_i, p * rpc, rpc), E_mus)
             for p in range(NPHASE)]
    outs = [
        _tc_phase(
            lax.dynamic_slice_in_dim(features, p * BP, BP),
            membs[p],
            lax.dynamic_slice_in_dim(sing_i, p * rpc, rpc),
            lax.dynamic_slice_in_dim(gen_i, p * rpc, rpc),
            W_feat, b_feat2, est, egt, W_out, b_out2)
        for p in range(NPHASE)
    ]
    return outs[0] if NPHASE == 1 else jnp.concatenate(outs, axis=0)

# --- scband reference (transcript-rebuilt; emitter-appended) ---
"""Pipeline reference for scband-music-encoder-9758165697137 (READ-ONLY COPY).

The authoritative reference and input builder live on the scoring server;
editing this copy changes nothing except your own understanding.
"""

import jax, jax.numpy as jnp
import numpy as np

B = 16384
SONG_FEAT = 128
HID = 128

def setup_inputs(seed: int = 0) -> dict:
    key = jax.random.key(seed)
    ks = jax.random.split(key, 12)
    inp = {}
    inp['features'] = jax.random.normal(ks[0], (B, SONG_FEAT), dtype=jnp.float32)
    inp['lyric'] = jax.random.normal(ks[1], (B, 768), dtype=jnp.float32)
    inp['singer'] = jax.random.randint(ks[2], (B,), 0, 417, dtype=jnp.int64 if jax.config.jax_enable_x64 else jnp.int32)
    inp['genre'] = jax.random.randint(ks[3], (B,), 0, 18, dtype=jnp.int64 if jax.config.jax_enable_x64 else jnp.int32)
    inp['mid'] = jax.random.randint(ks[4], (B,), 0, 42800, dtype=jnp.int64 if jax.config.jax_enable_x64 else jnp.int32)
    # learned parameters
    s = 1.0 / np.sqrt(SONG_FEAT)
    inp['W_feat'] = jax.random.uniform(ks[5], (SONG_FEAT, HID), minval=-s, maxval=s, dtype=jnp.float32)
    inp['b_feat'] = jnp.zeros((HID,), dtype=jnp.float32)
    inp['E_sing'] = jax.random.normal(ks[6], (417, HID), dtype=jnp.float32)
    inp['E_gen'] = jax.random.normal(ks[7], (18, HID), dtype=jnp.float32)
    inp['E_mus'] = jax.random.normal(ks[8], (42800, HID), dtype=jnp.float32)
    so = 1.0 / np.sqrt(4 * HID)
    inp['W_out'] = jax.random.uniform(ks[9], (4 * HID, 2 * HID), minval=-so, maxval=so, dtype=jnp.float32)
    inp['b_out'] = jnp.zeros((2 * HID,), dtype=jnp.float32)
    return inp

def reference(features, lyric, singer, genre, mid, W_feat, b_feat, E_sing, E_gen, E_mus, W_out, b_out):
    # faithful translation of MusicEncoder.forward (lyric branch is dead code in original)
    feature = jnp.dot(features, W_feat) + b_feat            # Linear(song_feature_len -> hidden)
    singers = jnp.take(E_sing, singer, axis=0)              # nn.Embedding(417, hidden)
    genres = jnp.take(E_gen, genre, axis=0)                 # nn.Embedding(18, hidden)
    memb = jnp.take(E_mus, mid, axis=0)                     # nn.Embedding(42800, hidden)
    embs = jnp.concatenate([memb, feature, singers, genres], axis=1)
    return jnp.dot(embs, W_out) + b_out                     # Linear(4*hidden -> 2*hidden)

if __name__ == "__main__":
    import jax
    _d = setup_inputs()
    print(jax.jit(kernel)(*tuple(_d.values())))

</pallas_src>

<mosaic_0001>
#map = affine_map<(d0, d1) -> (0, 0)>
module attributes {stable_mosaic.version = 14 : i64} {
  func.func @_sc_gather(%arg0: i32, %arg1: i32, %arg2: memref<128x128xi32, #tpu.memory_space<hbm>>, %arg3: memref<42800x128xf32, #tpu.memory_space<hbm>>, %arg4: memref<16384x128xf32, #tpu.memory_space<hbm>>, %arg5: memref<4x128xi32, #tpu.memory_space<vmem>>, %arg6: memref<4x128x128xf32, #tpu.memory_space<vmem>>, %arg7: memref<4x!tpu.dma_semaphore, #tpu.memory_space<semaphore_mem>>) attributes {dimension_semantics = [#tpu.dimension_semantics<core_parallel>, #tpu.dimension_semantics<subcore_parallel>], iteration_bounds = array<i64: 2, 16>, scalar_prefetch = 0 : i64, scratch_operands = 3 : i64, tpu.core_type = #tpu.core_type<sc_vector_subcore>, window_params = [{transform_indices = #map}, {transform_indices = #map}, {transform_indices = #map}]} {
    %mul3A = arith.constant 2 : i32
    %mul3A_0 = arith.muli %arg1, %mul3A : i32
    %add3A = arith.addi %mul3A_0, %arg0 : i32
    %mul3A_1 = arith.constant 4 : i32
    %mul3A_2 = arith.muli %add3A, %mul3A_1 : i32
    "tpu.region"() ({
      %run_scoped3A = tpu.sem_alloc : memref<!tpu.dma_semaphore, #tpu.memory_space<semaphore_mem>>
      %dma_start3A_265 = arith.constant 0 : i32
      %dma_start3A_266 = tpu.memref_slice %arg2[%mul3A_2, %dma_start3A_265] : memref<128x128xi32, #tpu.memory_space<hbm>> -> memref<4x128xi32, #tpu.memory_space<hbm>>
      %dma_start3A_267 = arith.constant 0 : i32
      %dma_start3A_268 = tpu.memref_slice %arg2[%mul3A_2, %dma_start3A_267] : memref<128x128xi32, #tpu.memory_space<hbm>> -> memref<4x128xi32, #tpu.memory_space<hbm>>
      tpu.enqueue_dma source(%dma_start3A_268 : memref<4x128xi32, #tpu.memory_space<hbm>>) target(%arg5 : memref<4x128xi32, #tpu.memory_space<vmem>>) target_semaphore(%run_scoped3A : memref<!tpu.dma_semaphore, #tpu.memory_space<semaphore_mem>>)
      %dma_wait3A_269 = arith.constant 0 : i32
      %dma_wait3A_270 = tpu.memref_slice %arg2[%mul3A_2, %dma_wait3A_269] : memref<128x128xi32, #tpu.memory_space<hbm>> -> memref<4x128xi32, #tpu.memory_space<hbm>>
      %dma_wait3A_271 = arith.constant 0 : i32
      %dma_wait3A_272 = tpu.memref_slice %arg2[%mul3A_2, %dma_wait3A_271] : memref<128x128xi32, #tpu.memory_space<hbm>> -> memref<4x128xi32, #tpu.memory_space<hbm>>
      tpu.wait_dma2 semaphore(%run_scoped3A : memref<!tpu.dma_semaphore, #tpu.memory_space<semaphore_mem>>) src(%dma_wait3A_272 : memref<4x128xi32, #tpu.memory_space<hbm>>) dst(%arg5 : memref<4x128xi32, #tpu.memory_space<vmem>>)
      tpu.yield
    }) : () -> ()
    %dma_start3A = arith.constant 0 : i32
    %dma_start3A_3 = arith.constant 0 : i32
    %dma_start3A_4 = arith.constant 0 : i32
    %dma_start3A_5 = arith.constant 0 : i32
    %dma_start3A_6 = arith.constant 0 : i32
    %dma_start3A_7 = tpu.memref_slice %arg6[%dma_start3A_3, %dma_start3A_5, %dma_start3A_6] : memref<4x128x128xf32, #tpu.memory_space<vmem>> -> memref<1x128x128xf32, #tpu.memory_space<vmem>>
    %dma_start3A_8 = tpu.memref_squeeze %dma_start3A_7 : memref<1x128x128xf32, #tpu.memory_space<vmem>> -> memref<128x128xf32, #tpu.memory_space<vmem>>
    %dma_start3A_9 = arith.constant 0 : i32
    %dma_start3A_10 = tpu.memref_slice %arg5[%dma_start3A, %dma_start3A_9] : memref<4x128xi32, #tpu.memory_space<vmem>> -> memref<1x128xi32, #tpu.memory_space<vmem>>
    %dma_start3A_11 = tpu.memref_squeeze %dma_start3A_10 : memref<1x128xi32, #tpu.memory_space<vmem>> -> memref<128xi32, #tpu.memory_space<vmem>>
    %dma_start3A_12 = arith.constant 0 : i32
    %dma_start3A_13 = arith.constant 0 : i32
    %dma_start3A_14 = tpu.memref_slice %arg3[%dma_start3A_12, %dma_start3A_13] : memref<42800x128xf32, #tpu.memory_space<hbm>> -> memref<42800x128xf32, #tpu.memory_space<hbm>>
    %dma_start3A_15 = tpu.memref_slice %arg7[%dma_start3A_4] : memref<4x!tpu.dma_semaphore, #tpu.memory_space<semaphore_mem>> -> memref<1x!tpu.dma_semaphore, #tpu.memory_space<semaphore_mem>>
    %dma_start3A_16 = tpu.memref_squeeze %dma_start3A_15 : memref<1x!tpu.dma_semaphore, #tpu.memory_space<semaphore_mem>> -> memref<!tpu.dma_semaphore, #tpu.memory_space<semaphore_mem>>
    tpu.enqueue_indirect_dma source(%dma_start3A_14 : memref<42800x128xf32, #tpu.memory_space<hbm>>) target(%dma_start3A_8 : memref<128x128xf32, #tpu.memory_space<vmem>>) offsets(%dma_start3A_11 : memref<128xi32, #tpu.memory_space<vmem>>) semaphore(%dma_start3A_16 : memref<!tpu.dma_semaphore, #tpu.memory_space<semaphore_mem>>)
    %dma_start3A_17 = arith.constant 1 : i32
    %dma_start3A_18 = arith.constant 1 : i32
    %dma_start3A_19 = arith.constant 1 : i32
    %dma_start3A_20 = arith.constant 0 : i32
    %dma_start3A_21 = arith.constant 0 : i32
    %dma_start3A_22 = tpu.memref_slice %arg6[%dma_start3A_18, %dma_start3A_20, %dma_start3A_21] : memref<4x128x128xf32, #tpu.memory_space<vmem>> -> memref<1x128x128xf32, #tpu.memory_space<vmem>>
    %dma_start3A_23 = tpu.memref_squeeze %dma_start3A_22 : memref<1x128x128xf32, #tpu.memory_space<vmem>> -> memref<128x128xf32, #tpu.memory_space<vmem>>
    %dma_start3A_24 = arith.constant 0 : i32
    %dma_start3A_25 = tpu.memref_slice %arg5[%dma_start3A_17, %dma_start3A_24] : memref<4x128xi32, #tpu.memory_space<vmem>> -> memref<1x128xi32, #tpu.memory_space<vmem>>
    %dma_start3A_26 = tpu.memref_squeeze %dma_start3A_25 : memref<1x128xi32, #tpu.memory_space<vmem>> -> memref<128xi32, #tpu.memory_space<vmem>>
    %dma_start3A_27 = arith.constant 0 : i32
    %dma_start3A_28 = arith.constant 0 : i32
    %dma_start3A_29 = tpu.memref_slice %arg3[%dma_start3A_27, %dma_start3A_28] : memref<42800x128xf32, #tpu.memory_space<hbm>> -> memref<42800x128xf32, #tpu.memory_space<hbm>>
    %dma_start3A_30 = tpu.memref_slice %arg7[%dma_start3A_19] : memref<4x!tpu.dma_semaphore, #tpu.memory_space<semaphore_mem>> -> memref<1x!tpu.dma_semaphore, #tpu.memory_space<semaphore_mem>>
    %dma_start3A_31 = tpu.memref_squeeze %dma_start3A_30 : memref<1x!tpu.dma_semaphore, #tpu.memory_space<semaphore_mem>> -> memref<!tpu.dma_semaphore, #tpu.memory_space<semaphore_mem>>
    tpu.enqueue_indirect_dma source(%dma_start3A_29 : memref<42800x128xf32, #tpu.memory_space<hbm>>) target(%dma_start3A_23 : memref<128x128xf32, #tpu.memory_space<vmem>>) offsets(%dma_start3A_26 : memref<128xi32, #tpu.memory_space<vmem>>) semaphore(%dma_start3A_31 : memref<!tpu.dma_semaphore, #tpu.memory_space<semaphore_mem>>)
    %dma_start3A_32 = arith.constant 2 : i32
    %dma_start3A_33 = arith.constant 2 : i32
    %dma_start3A_34 = arith.constant 2 : i32
    %dma_start3A_35 = arith.constant 0 : i32
    %dma_start3A_36 = arith.constant 0 : i32
    %dma_start3A_37 = tpu.memref_slice %arg6[%dma_start3A_33, %dma_start3A_35, %dma_start3A_36] : memref<4x128x128xf32, #tpu.memory_space<vmem>> -> memref<1x128x128xf32, #tpu.memory_space<vmem>>
    %dma_start3A_38 = tpu.memref_squeeze %dma_start3A_37 : memref<1x128x128xf32, #tpu.memory_space<vmem>> -> memref<128x128xf32, #tpu.memory_space<vmem>>
    %dma_start3A_39 = arith.constant 0 : i32
    %dma_start3A_40 = tpu.memref_slice %arg5[%dma_start3A_32, %dma_start3A_39] : memref<4x128xi32, #tpu.memory_space<vmem>> -> memref<1x128xi32, #tpu.memory_space<vmem>>
    %dma_start3A_41 = tpu.memref_squeeze %dma_start3A_40 : memref<1x128xi32, #tpu.memory_space<vmem>> -> memref<128xi32, #tpu.memory_space<vmem>>
    %dma_start3A_42 = arith.constant 0 : i32
    %dma_start3A_43 = arith.constant 0 : i32
    %dma_start3A_44 = tpu.memref_slice %arg3[%dma_start3A_42, %dma_start3A_43] : memref<42800x128xf32, #tpu.memory_space<hbm>> -> memref<42800x128xf32, #tpu.memory_space<hbm>>
    %dma_start3A_45 = tpu.memref_slice %arg7[%dma_start3A_34] : memref<4x!tpu.dma_semaphore, #tpu.memory_space<semaphore_mem>> -> memref<1x!tpu.dma_semaphore, #tpu.memory_space<semaphore_mem>>
    %dma_start3A_46 = tpu.memref_squeeze %dma_start3A_45 : memref<1x!tpu.dma_semaphore, #tpu.memory_space<semaphore_mem>> -> memref<!tpu.dma_semaphore, #tpu.memory_space<semaphore_mem>>
    tpu.enqueue_indirect_dma source(%dma_start3A_44 : memref<42800x128xf32, #tpu.memory_space<hbm>>) target(%dma_start3A_38 : memref<128x128xf32, #tpu.memory_space<vmem>>) offsets(%dma_start3A_41 : memref<128xi32, #tpu.memory_space<vmem>>) semaphore(%dma_start3A_46 : memref<!tpu.dma_semaphore, #tpu.memory_space<semaphore_mem>>)
    %dma_wait3A = arith.constant 0 : i32
    %dma_wait3A_47 = arith.constant 0 : i32
    %dma_wait3A_48 = arith.constant 0 : i32
    %dma_wait3A_49 = arith.constant 0 : i32
    %dma_wait3A_50 = arith.constant 0 : i32
    %dma_wait3A_51 = tpu.memref_slice %arg6[%dma_wait3A_47, %dma_wait3A_49, %dma_wait3A_50] : memref<4x128x128xf32, #tpu.memory_space<vmem>> -> memref<1x128x128xf32, #tpu.memory_space<vmem>>
    %dma_wait3A_52 = tpu.memref_squeeze %dma_wait3A_51 : memref<1x128x128xf32, #tpu.memory_space<vmem>> -> memref<128x128xf32, #tpu.memory_space<vmem>>
    %dma_wait3A_53 = arith.constant 0 : i32
    %dma_wait3A_54 = tpu.memref_slice %arg5[%dma_wait3A, %dma_wait3A_53] : memref<4x128xi32, #tpu.memory_space<vmem>> -> memref<1x128xi32, #tpu.memory_space<vmem>>
    %dma_wait3A_55 = tpu.memref_squeeze %dma_wait3A_54 : memref<1x128xi32, #tpu.memory_space<vmem>> -> memref<128xi32, #tpu.memory_space<vmem>>
    %dma_wait3A_56 = arith.constant 0 : i32
    %dma_wait3A_57 = arith.constant 0 : i32
    %dma_wait3A_58 = tpu.memref_slice %arg3[%dma_wait3A_56, %dma_wait3A_57] : memref<42800x128xf32, #tpu.memory_space<hbm>> -> memref<42800x128xf32, #tpu.memory_space<hbm>>
    %dma_wait3A_59 = tpu.memref_slice %arg7[%dma_wait3A_48] : memref<4x!tpu.dma_semaphore, #tpu.memory_space<semaphore_mem>> -> memref<1x!tpu.dma_semaphore, #tpu.memory_space<semaphore_mem>>
    %dma_wait3A_60 = tpu.memref_squeeze %dma_wait3A_59 : memref<1x!tpu.dma_semaphore, #tpu.memory_space<semaphore_mem>> -> memref<!tpu.dma_semaphore, #tpu.memory_space<semaphore_mem>>
    tpu.wait_indirect_dma semaphore(%dma_wait3A_60 : memref<!tpu.dma_semaphore, #tpu.memory_space<semaphore_mem>>) src(%dma_wait3A_58 : memref<42800x128xf32, #tpu.memory_space<hbm>>) dst(%dma_wait3A_52 : memref<128x128xf32, #tpu.memory_space<vmem>>)
    %mul3A_61 = arith.constant 512 : i32
    %mul3A_62 = arith.muli %add3A, %mul3A_61 : i32
    %add3A_63 = arith.constant 0 : i32
    %add3A_64 = arith.addi %mul3A_62, %add3A_63 : i32
    %dma_start3A_65 = arith.constant 0 : i32
    %dma_start3A_66 = arith.constant 0 : i32
    %dma_start3A_67 = arith.constant 0 : i32
    %dma_start3A_68 = arith.constant 0 : i32
    %dma_start3A_69 = tpu.memref_slice %arg6[%dma_start3A_65, %dma_start3A_67, %dma_start3A_68] : memref<4x128x128xf32, #tpu.memory_space<vmem>> -> memref<1x128x128xf32, #tpu.memory_space<vmem>>
    %dma_start3A_70 = tpu.memref_squeeze %dma_start3A_69 : memref<1x128x128xf32, #tpu.memory_space<vmem>> -> memref<128x128xf32, #tpu.memory_space<vmem>>
    %dma_start3A_71 = arith.constant 0 : i32
    %dma_start3A_72 = tpu.memref_slice %arg4[%add3A_64, %dma_start3A_71] : memref<16384x128xf32, #tpu.memory_space<hbm>> -> memref<128x128xf32, #tpu.memory_space<hbm>>
    %dma_start3A_73 = tpu.memref_slice %arg7[%dma_start3A_66] : memref<4x!tpu.dma_semaphore, #tpu.memory_space<semaphore_mem>> -> memref<1x!tpu.dma_semaphore, #tpu.memory_space<semaphore_mem>>
    %dma_start3A_74 = tpu.memref_squeeze %dma_start3A_73 : memref<1x!tpu.dma_semaphore, #tpu.memory_space<semaphore_mem>> -> memref<!tpu.dma_semaphore, #tpu.memory_space<semaphore_mem>>
    %dma_start3A_75 = arith.constant 0 : i32
    %dma_start3A_76 = tpu.memref_slice %arg4[%add3A_64, %dma_start3A_75] : memref<16384x128xf32, #tpu.memory_space<hbm>> -> memref<128x128xf32, #tpu.memory_space<hbm>>
    %dma_start3A_77 = arith.constant 0 : i32
    %dma_start3A_78 = arith.constant 0 : i32
    %dma_start3A_79 = tpu.memref_slice %arg6[%dma_start3A_65, %dma_start3A_77, %dma_start3A_78] : memref<4x128x128xf32, #tpu.memory_space<vmem>> -> memref<1x128x128xf32, #tpu.memory_space<vmem>>
    %dma_start3A_80 = tpu.memref_squeeze %dma_start3A_79 : memref<1x128x128xf32, #tpu.memory_space<vmem>> -> memref<128x128xf32, #tpu.memory_space<vmem>>
    tpu.enqueue_dma source(%dma_start3A_80 : memref<128x128xf32, #tpu.memory_space<vmem>>) target(%dma_start3A_76 : memref<128x128xf32, #tpu.memory_space<hbm>>) target_semaphore(%dma_start3A_74 : memref<!tpu.dma_semaphore, #tpu.memory_space<semaphore_mem>>)
    %dma_start3A_81 = arith.constant 3 : i32
    %dma_start3A_82 = arith.constant 3 : i32
    %dma_start3A_83 = arith.constant 3 : i32
    %dma_start3A_84 = arith.constant 0 : i32
    %dma_start3A_85 = arith.constant 0 : i32
    %dma_start3A_86 = tpu.memref_slice %arg6[%dma_start3A_82, %dma_start3A_84, %dma_start3A_85] : memref<4x128x128xf32, #tpu.memory_space<vmem>> -> memref<1x128x128xf32, #tpu.memory_space<vmem>>
    %dma_start3A_87 = tpu.memref_squeeze %dma_start3A_86 : memref<1x128x128xf32, #tpu.memory_space<vmem>> -> memref<128x128xf32, #tpu.memory_space<vmem>>
    %dma_start3A_88 = arith.constant 0 : i32
    %dma_start3A_89 = tpu.memref_slice %arg5[%dma_start3A_81, %dma_start3A_88] : memref<4x128xi32, #tpu.memory_space<vmem>> -> memref<1x128xi32, #tpu.memory_space<vmem>>
    %dma_start3A_90 = tpu.memref_squeeze %dma_start3A_89 : memref<1x128xi32, #tpu.memory_space<vmem>> -> memref<128xi32, #tpu.memory_space<vmem>>
    %dma_start3A_91 = arith.constant 0 : i32
    %dma_start3A_92 = arith.constant 0 : i32
    %dma_start3A_93 = tpu.memref_slice %arg3[%dma_start3A_91, %dma_start3A_92] : memref<42800x128xf32, #tpu.memory_space<hbm>> -> memref<42800x128xf32, #tpu.memory_space<hbm>>
    %dma_start3A_94 = tpu.memref_slice %arg7[%dma_start3A_83] : memref<4x!tpu.dma_semaphore, #tpu.memory_space<semaphore_mem>> -> memref<1x!tpu.dma_semaphore, #tpu.memory_space<semaphore_mem>>
    %dma_start3A_95 = tpu.memref_squeeze %dma_start3A_94 : memref<1x!tpu.dma_semaphore, #tpu.memory_space<semaphore_mem>> -> memref<!tpu.dma_semaphore, #tpu.memory_space<semaphore_mem>>
    tpu.enqueue_indirect_dma source(%dma_start3A_93 : memref<42800x128xf32, #tpu.memory_space<hbm>>) target(%dma_start3A_87 : memref<128x128xf32, #tpu.memory_space<vmem>>) offsets(%dma_start3A_90 : memref<128xi32, #tpu.memory_space<vmem>>) semaphore(%dma_start3A_95 : memref<!tpu.dma_semaphore, #tpu.memory_space<semaphore_mem>>)
    %dma_wait3A_96 = arith.constant 1 : i32
    %dma_wait3A_97 = arith.constant 1 : i32
    %dma_wait3A_98 = arith.constant 1 : i32
    %dma_wait3A_99 = arith.constant 0 : i32
    %dma_wait3A_100 = arith.constant 0 : i32
    %dma_wait3A_101 = tpu.memref_slice %arg6[%dma_wait3A_97, %dma_wait3A_99, %dma_wait3A_100] : memref<4x128x128xf32, #tpu.memory_space<vmem>> -> memref<1x128x128xf32, #tpu.memory_space<vmem>>
    %dma_wait3A_102 = tpu.memref_squeeze %dma_wait3A_101 : memref<1x128x128xf32, #tpu.memory_space<vmem>> -> memref<128x128xf32, #tpu.memory_space<vmem>>
    %dma_wait3A_103 = arith.constant 0 : i32
    %dma_wait3A_104 = tpu.memref_slice %arg5[%dma_wait3A_96, %dma_wait3A_103] : memref<4x128xi32, #tpu.memory_space<vmem>> -> memref<1x128xi32, #tpu.memory_space<vmem>>
    %dma_wait3A_105 = tpu.memref_squeeze %dma_wait3A_104 : memref<1x128xi32, #tpu.memory_space<vmem>> -> memref<128xi32, #tpu.memory_space<vmem>>
    %dma_wait3A_106 = arith.constant 0 : i32
    %dma_wait3A_107 = arith.constant 0 : i32
    %dma_wait3A_108 = tpu.memref_slice %arg3[%dma_wait3A_106, %dma_wait3A_107] : memref<42800x128xf32, #tpu.memory_space<hbm>> -> memref<42800x128xf32, #tpu.memory_space<hbm>>
    %dma_wait3A_109 = tpu.memref_slice %arg7[%dma_wait3A_98] : memref<4x!tpu.dma_semaphore, #tpu.memory_space<semaphore_mem>> -> memref<1x!tpu.dma_semaphore, #tpu.memory_space<semaphore_mem>>
    %dma_wait3A_110 = tpu.memref_squeeze %dma_wait3A_109 : memref<1x!tpu.dma_semaphore, #tpu.memory_space<semaphore_mem>> -> memref<!tpu.dma_semaphore, #tpu.memory_space<semaphore_mem>>
    tpu.wait_indirect_dma semaphore(%dma_wait3A_110 : memref<!tpu.dma_semaphore, #tpu.memory_space<semaphore_mem>>) src(%dma_wait3A_108 : memref<42800x128xf32, #tpu.memory_space<hbm>>) dst(%dma_wait3A_102 : memref<128x128xf32, #tpu.memory_space<vmem>>)
    %mul3A_111 = arith.constant 512 : i32
    %mul3A_112 = arith.muli %add3A, %mul3A_111 : i32
    %add3A_113 = arith.constant 128 : i32
    %add3A_114 = arith.addi %mul3A_112, %add3A_113 : i32
    %dma_start3A_115 = arith.constant 1 : i32
    %dma_start3A_116 = arith.constant 1 : i32
    %dma_start3A_117 = arith.constant 0 : i32
    %dma_start3A_118 = arith.constant 0 : i32
    %dma_start3A_119 = tpu.memref_slice %arg6[%dma_start3A_115, %dma_start3A_117, %dma_start3A_118] : memref<4x128x128xf32, #tpu.memory_space<vmem>> -> memref<1x128x128xf32, #tpu.memory_space<vmem>>
    %dma_start3A_120 = tpu.memref_squeeze %dma_start3A_119 : memref<1x128x128xf32, #tpu.memory_space<vmem>> -> memref<128x128xf32, #tpu.memory_space<vmem>>
    %dma_start3A_121 = arith.constant 0 : i32
    %dma_start3A_122 = tpu.memref_slice %arg4[%add3A_114, %dma_start3A_121] : memref<16384x128xf32, #tpu.memory_space<hbm>> -> memref<128x128xf32, #tpu.memory_space<hbm>>
    %dma_start3A_123 = tpu.memref_slice %arg7[%dma_start3A_116] : memref<4x!tpu.dma_semaphore, #tpu.memory_space<semaphore_mem>> -> memref<1x!tpu.dma_semaphore, #tpu.memory_space<semaphore_mem>>
    %dma_start3A_124 = tpu.memref_squeeze %dma_start3A_123 : memref<1x!tpu.dma_semaphore, #tpu.memory_space<semaphore_mem>> -> memref<!tpu.dma_semaphore, #tpu.memory_space<semaphore_mem>>
    %dma_start3A_125 = arith.constant 0 : i32
    %dma_start3A_126 = tpu.memref_slice %arg4[%add3A_114, %dma_start3A_125] : memref<16384x128xf32, #tpu.memory_space<hbm>> -> memref<128x128xf32, #tpu.memory_space<hbm>>
    %dma_start3A_127 = arith.constant 0 : i32
    %dma_start3A_128 = arith.constant 0 : i32
    %dma_start3A_129 = tpu.memref_slice %arg6[%dma_start3A_115, %dma_start3A_127, %dma_start3A_128] : memref<4x128x128xf32, #tpu.memory_space<vmem>> -> memref<1x128x128xf32, #tpu.memory_space<vmem>>
    %dma_start3A_130 = tpu.memref_squeeze %dma_start3A_129 : memref<1x128x128xf32, #tpu.memory_space<vmem>> -> memref<128x128xf32, #tpu.memory_space<vmem>>
    tpu.enqueue_dma source(%dma_start3A_130 : memref<128x128xf32, #tpu.memory_space<vmem>>) target(%dma_start3A_126 : memref<128x128xf32, #tpu.memory_space<hbm>>) target_semaphore(%dma_start3A_124 : memref<!tpu.dma_semaphore, #tpu.memory_space<semaphore_mem>>)
    %dma_wait3A_131 = arith.constant 2 : i32
    %dma_wait3A_132 = arith.constant 2 : i32
    %dma_wait3A_133 = arith.constant 2 : i32
    %dma_wait3A_134 = arith.constant 0 : i32
    %dma_wait3A_135 = arith.constant 0 : i32
    %dma_wait3A_136 = tpu.memref_slice %arg6[%dma_wait3A_132, %dma_wait3A_134, %dma_wait3A_135] : memref<4x128x128xf32, #tpu.memory_space<vmem>> -> memref<1x128x128xf32, #tpu.memory_space<vmem>>
    %dma_wait3A_137 = tpu.memref_squeeze %dma_wait3A_136 : memref<1x128x128xf32, #tpu.memory_space<vmem>> -> memref<128x128xf32, #tpu.memory_space<vmem>>
    %dma_wait3A_138 = arith.constant 0 : i32
    %dma_wait3A_139 = tpu.memref_slice %arg5[%dma_wait3A_131, %dma_wait3A_138] : memref<4x128xi32, #tpu.memory_space<vmem>> -> memref<1x128xi32, #tpu.memory_space<vmem>>
    %dma_wait3A_140 = tpu.memref_squeeze %dma_wait3A_139 : memref<1x128xi32, #tpu.memory_space<vmem>> -> memref<128xi32, #tpu.memory_space<vmem>>
    %dma_wait3A_141 = arith.constant 0 : i32
    %dma_wait3A_142 = arith.constant 0 : i32
    %dma_wait3A_143 = tpu.memref_slice %arg3[%dma_wait3A_141, %dma_wait3A_142] : memref<42800x128xf32, #tpu.memory_space<hbm>> -> memref<42800x128xf32, #tpu.memory_space<hbm>>
    %dma_wait3A_144 = tpu.memref_slice %arg7[%dma_wait3A_133] : memref<4x!tpu.dma_semaphore, #tpu.memory_space<semaphore_mem>> -> memref<1x!tpu.dma_semaphore, #tpu.memory_space<semaphore_mem>>
    %dma_wait3A_145 = tpu.memref_squeeze %dma_wait3A_144 : memref<1x!tpu.dma_semaphore, #tpu.memory_space<semaphore_mem>> -> memref<!tpu.dma_semaphore, #tpu.memory_space<semaphore_mem>>
    tpu.wait_indirect_dma semaphore(%dma_wait3A_145 : memref<!tpu.dma_semaphore, #tpu.memory_space<semaphore_mem>>) src(%dma_wait3A_143 : memref<42800x128xf32, #tpu.memory_space<hbm>>) dst(%dma_wait3A_137 : memref<128x128xf32, #tpu.memory_space<vmem>>)
    %mul3A_146 = arith.constant 512 : i32
    %mul3A_147 = arith.muli %add3A, %mul3A_146 : i32
    %add3A_148 = arith.constant 256 : i32
    %add3A_149 = arith.addi %mul3A_147, %add3A_148 : i32
    %dma_start3A_150 = arith.constant 2 : i32
    %dma_start3A_151 = arith.constant 2 : i32
    %dma_start3A_152 = arith.constant 0 : i32
    %dma_start3A_153 = arith.constant 0 : i32
    %dma_start3A_154 = tpu.memref_slice %arg6[%dma_start3A_150, %dma_start3A_152, %dma_start3A_153] : memref<4x128x128xf32, #tpu.memory_space<vmem>> -> memref<1x128x128xf32, #tpu.memory_space<vmem>>
    %dma_start3A_155 = tpu.memref_squeeze %dma_start3A_154 : memref<1x128x128xf32, #tpu.memory_space<vmem>> -> memref<128x128xf32, #tpu.memory_space<vmem>>
    %dma_start3A_156 = arith.constant 0 : i32
    %dma_start3A_157 = tpu.memref_slice %arg4[%add3A_149, %dma_start3A_156] : memref<16384x128xf32, #tpu.memory_space<hbm>> -> memref<128x128xf32, #tpu.memory_space<hbm>>
    %dma_start3A_158 = tpu.memref_slice %arg7[%dma_start3A_151] : memref<4x!tpu.dma_semaphore, #tpu.memory_space<semaphore_mem>> -> memref<1x!tpu.dma_semaphore, #tpu.memory_space<semaphore_mem>>
    %dma_start3A_159 = tpu.memref_squeeze %dma_start3A_158 : memref<1x!tpu.dma_semaphore, #tpu.memory_space<semaphore_mem>> -> memref<!tpu.dma_semaphore, #tpu.memory_space<semaphore_mem>>
    %dma_start3A_160 = arith.constant 0 : i32
    %dma_start3A_161 = tpu.memref_slice %arg4[%add3A_149, %dma_start3A_160] : memref<16384x128xf32, #tpu.memory_space<hbm>> -> memref<128x128xf32, #tpu.memory_space<hbm>>
    %dma_start3A_162 = arith.constant 0 : i32
    %dma_start3A_163 = arith.constant 0 : i32
    %dma_start3A_164 = tpu.memref_slice %arg6[%dma_start3A_150, %dma_start3A_162, %dma_start3A_163] : memref<4x128x128xf32, #tpu.memory_space<vmem>> -> memref<1x128x128xf32, #tpu.memory_space<vmem>>
    %dma_start3A_165 = tpu.memref_squeeze %dma_start3A_164 : memref<1x128x128xf32, #tpu.memory_space<vmem>> -> memref<128x128xf32, #tpu.memory_space<vmem>>
    tpu.enqueue_dma source(%dma_start3A_165 : memref<128x128xf32, #tpu.memory_space<vmem>>) target(%dma_start3A_161 : memref<128x128xf32, #tpu.memory_space<hbm>>) target_semaphore(%dma_start3A_159 : memref<!tpu.dma_semaphore, #tpu.memory_space<semaphore_mem>>)
    %dma_wait3A_166 = arith.constant 3 : i32
    %dma_wait3A_167 = arith.constant 3 : i32
    %dma_wait3A_168 = arith.constant 3 : i32
    %dma_wait3A_169 = arith.constant 0 : i32
    %dma_wait3A_170 = arith.constant 0 : i32
    %dma_wait3A_171 = tpu.memref_slice %arg6[%dma_wait3A_167, %dma_wait3A_169, %dma_wait3A_170] : memref<4x128x128xf32, #tpu.memory_space<vmem>> -> memref<1x128x128xf32, #tpu.memory_space<vmem>>
    %dma_wait3A_172 = tpu.memref_squeeze %dma_wait3A_171 : memref<1x128x128xf32, #tpu.memory_space<vmem>> -> memref<128x128xf32, #tpu.memory_space<vmem>>
    %dma_wait3A_173 = arith.constant 0 : i32
    %dma_wait3A_174 = tpu.memref_slice %arg5[%dma_wait3A_166, %dma_wait3A_173] : memref<4x128xi32, #tpu.memory_space<vmem>> -> memref<1x128xi32, #tpu.memory_space<vmem>>
    %dma_wait3A_175 = tpu.memref_squeeze %dma_wait3A_174 : memref<1x128xi32, #tpu.memory_space<vmem>> -> memref<128xi32, #tpu.memory_space<vmem>>
    %dma_wait3A_176 = arith.constant 0 : i32
    %dma_wait3A_177 = arith.constant 0 : i32
    %dma_wait3A_178 = tpu.memref_slice %arg3[%dma_wait3A_176, %dma_wait3A_177] : memref<42800x128xf32, #tpu.memory_space<hbm>> -> memref<42800x128xf32, #tpu.memory_space<hbm>>
    %dma_wait3A_179 = tpu.memref_slice %arg7[%dma_wait3A_168] : memref<4x!tpu.dma_semaphore, #tpu.memory_space<semaphore_mem>> -> memref<1x!tpu.dma_semaphore, #tpu.memory_space<semaphore_mem>>
    %dma_wait3A_180 = tpu.memref_squeeze %dma_wait3A_179 : memref<1x!tpu.dma_semaphore, #tpu.memory_space<semaphore_mem>> -> memref<!tpu.dma_semaphore, #tpu.memory_space<semaphore_mem>>
    tpu.wait_indirect_dma semaphore(%dma_wait3A_180 : memref<!tpu.dma_semaphore, #tpu.memory_space<semaphore_mem>>) src(%dma_wait3A_178 : memref<42800x128xf32, #tpu.memory_space<hbm>>) dst(%dma_wait3A_172 : memref<128x128xf32, #tpu.memory_space<vmem>>)
    %mul3A_181 = arith.constant 512 : i32
    %mul3A_182 = arith.muli %add3A, %mul3A_181 : i32
    %add3A_183 = arith.constant 384 : i32
    %add3A_184 = arith.addi %mul3A_182, %add3A_183 : i32
    %dma_start3A_185 = arith.constant 3 : i32
    %dma_start3A_186 = arith.constant 3 : i32
    %dma_start3A_187 = arith.constant 0 : i32
    %dma_start3A_188 = arith.constant 0 : i32
    %dma_start3A_189 = tpu.memref_slice %arg6[%dma_start3A_185, %dma_start3A_187, %dma_start3A_188] : memref<4x128x128xf32, #tpu.memory_space<vmem>> -> memref<1x128x128xf32, #tpu.memory_space<vmem>>
    %dma_start3A_190 = tpu.memref_squeeze %dma_start3A_189 : memref<1x128x128xf32, #tpu.memory_space<vmem>> -> memref<128x128xf32, #tpu.memory_space<vmem>>
    %dma_start3A_191 = arith.constant 0 : i32
    %dma_start3A_192 = tpu.memref_slice %arg4[%add3A_184, %dma_start3A_191] : memref<16384x128xf32, #tpu.memory_space<hbm>> -> memref<128x128xf32, #tpu.memory_space<hbm>>
    %dma_start3A_193 = tpu.memref_slice %arg7[%dma_start3A_186] : memref<4x!tpu.dma_semaphore, #tpu.memory_space<semaphore_mem>> -> memref<1x!tpu.dma_semaphore, #tpu.memory_space<semaphore_mem>>
    %dma_start3A_194 = tpu.memref_squeeze %dma_start3A_193 : memref<1x!tpu.dma_semaphore, #tpu.memory_space<semaphore_mem>> -> memref<!tpu.dma_semaphore, #tpu.memory_space<semaphore_mem>>
    %dma_start3A_195 = arith.constant 0 : i32
    %dma_start3A_196 = tpu.memref_slice %arg4[%add3A_184, %dma_start3A_195] : memref<16384x128xf32, #tpu.memory_space<hbm>> -> memref<128x128xf32, #tpu.memory_space<hbm>>
    %dma_start3A_197 = arith.constant 0 : i32
    %dma_start3A_198 = arith.constant 0 : i32
    %dma_start3A_199 = tpu.memref_slice %arg6[%dma_start3A_185, %dma_start3A_197, %dma_start3A_198] : memref<4x128x128xf32, #tpu.memory_space<vmem>> -> memref<1x128x128xf32, #tpu.memory_space<vmem>>
    %dma_start3A_200 = tpu.memref_squeeze %dma_start3A_199 : memref<1x128x128xf32, #tpu.memory_space<vmem>> -> memref<128x128xf32, #tpu.memory_space<vmem>>
    tpu.enqueue_dma source(%dma_start3A_200 : memref<128x128xf32, #tpu.memory_space<vmem>>) target(%dma_start3A_196 : memref<128x128xf32, #tpu.memory_space<hbm>>) target_semaphore(%dma_start3A_194 : memref<!tpu.dma_semaphore, #tpu.memory_space<semaphore_mem>>)
    %dma_wait3A_201 = arith.constant 0 : i32
    %dma_wait3A_202 = arith.constant 0 : i32
    %dma_wait3A_203 = arith.constant 0 : i32
    %dma_wait3A_204 = arith.constant 0 : i32
    %dma_wait3A_205 = tpu.memref_slice %arg6[%dma_wait3A_201, %dma_wait3A_203, %dma_wait3A_204] : memref<4x128x128xf32, #tpu.memory_space<vmem>> -> memref<1x128x128xf32, #tpu.memory_space<vmem>>
    %dma_wait3A_206 = tpu.memref_squeeze %dma_wait3A_205 : memref<1x128x128xf32, #tpu.memory_space<vmem>> -> memref<128x128xf32, #tpu.memory_space<vmem>>
    %dma_wait3A_207 = arith.constant 0 : i32
    %dma_wait3A_208 = tpu.memref_slice %arg4[%add3A_64, %dma_wait3A_207] : memref<16384x128xf32, #tpu.memory_space<hbm>> -> memref<128x128xf32, #tpu.memory_space<hbm>>
    %dma_wait3A_209 = tpu.memref_slice %arg7[%dma_wait3A_202] : memref<4x!tpu.dma_semaphore, #tpu.memory_space<semaphore_mem>> -> memref<1x!tpu.dma_semaphore, #tpu.memory_space<semaphore_mem>>
    %dma_wait3A_210 = tpu.memref_squeeze %dma_wait3A_209 : memref<1x!tpu.dma_semaphore, #tpu.memory_space<semaphore_mem>> -> memref<!tpu.dma_semaphore, #tpu.memory_space<semaphore_mem>>
    %dma_wait3A_211 = arith.constant 0 : i32
    %dma_wait3A_212 = tpu.memref_slice %arg4[%add3A_64, %dma_wait3A_211] : memref<16384x128xf32, #tpu.memory_space<hbm>> -> memref<128x128xf32, #tpu.memory_space<hbm>>
    %dma_wait3A_213 = arith.constant 0 : i32
    %dma_wait3A_214 = arith.constant 0 : i32
    %dma_wait3A_215 = tpu.memref_slice %arg6[%dma_wait3A_201, %dma_wait3A_213, %dma_wait3A_214] : memref<4x128x128xf32, #tpu.memory_space<vmem>> -> memref<1x128x128xf32, #tpu.memory_space<vmem>>
    %dma_wait3A_216 = tpu.memref_squeeze %dma_wait3A_215 : memref<1x128x128xf32, #tpu.memory_space<vmem>> -> memref<128x128xf32, #tpu.memory_space<vmem>>
    tpu.wait_dma2 semaphore(%dma_wait3A_210 : memref<!tpu.dma_semaphore, #tpu.memory_space<semaphore_mem>>) src(%dma_wait3A_216 : memref<128x128xf32, #tpu.memory_space<vmem>>) dst(%dma_wait3A_212 : memref<128x128xf32, #tpu.memory_space<hbm>>)
    %dma_wait3A_217 = arith.constant 1 : i32
    %dma_wait3A_218 = arith.constant 1 : i32
    %dma_wait3A_219 = arith.constant 0 : i32
    %dma_wait3A_220 = arith.constant 0 : i32
    %dma_wait3A_221 = tpu.memref_slice %arg6[%dma_wait3A_217, %dma_wait3A_219, %dma_wait3A_220] : memref<4x128x128xf32, #tpu.memory_space<vmem>> -> memref<1x128x128xf32, #tpu.memory_space<vmem>>
    %dma_wait3A_222 = tpu.memref_squeeze %dma_wait3A_221 : memref<1x128x128xf32, #tpu.memory_space<vmem>> -> memref<128x128xf32, #tpu.memory_space<vmem>>
    %dma_wait3A_223 = arith.constant 0 : i32
    %dma_wait3A_224 = tpu.memref_slice %arg4[%add3A_114, %dma_wait3A_223] : memref<16384x128xf32, #tpu.memory_space<hbm>> -> memref<128x128xf32, #tpu.memory_space<hbm>>
    %dma_wait3A_225 = tpu.memref_slice %arg7[%dma_wait3A_218] : memref<4x!tpu.dma_semaphore, #tpu.memory_space<semaphore_mem>> -> memref<1x!tpu.dma_semaphore, #tpu.memory_space<semaphore_mem>>
    %dma_wait3A_226 = tpu.memref_squeeze %dma_wait3A_225 : memref<1x!tpu.dma_semaphore, #tpu.memory_space<semaphore_mem>> -> memref<!tpu.dma_semaphore, #tpu.memory_space<semaphore_mem>>
    %dma_wait3A_227 = arith.constant 0 : i32
    %dma_wait3A_228 = tpu.memref_slice %arg4[%add3A_114, %dma_wait3A_227] : memref<16384x128xf32, #tpu.memory_space<hbm>> -> memref<128x128xf32, #tpu.memory_space<hbm>>
    %dma_wait3A_229 = arith.constant 0 : i32
    %dma_wait3A_230 = arith.constant 0 : i32
    %dma_wait3A_231 = tpu.memref_slice %arg6[%dma_wait3A_217, %dma_wait3A_229, %dma_wait3A_230] : memref<4x128x128xf32, #tpu.memory_space<vmem>> -> memref<1x128x128xf32, #tpu.memory_space<vmem>>
    %dma_wait3A_232 = tpu.memref_squeeze %dma_wait3A_231 : memref<1x128x128xf32, #tpu.memory_space<vmem>> -> memref<128x128xf32, #tpu.memory_space<vmem>>
    tpu.wait_dma2 semaphore(%dma_wait3A_226 : memref<!tpu.dma_semaphore, #tpu.memory_space<semaphore_mem>>) src(%dma_wait3A_232 : memref<128x128xf32, #tpu.memory_space<vmem>>) dst(%dma_wait3A_228 : memref<128x128xf32, #tpu.memory_space<hbm>>)
    %dma_wait3A_233 = arith.constant 2 : i32
    %dma_wait3A_234 = arith.constant 2 : i32
    %dma_wait3A_235 = arith.constant 0 : i32
    %dma_wait3A_236 = arith.constant 0 : i32
    %dma_wait3A_237 = tpu.memref_slice %arg6[%dma_wait3A_233, %dma_wait3A_235, %dma_wait3A_236] : memref<4x128x128xf32, #tpu.memory_space<vmem>> -> memref<1x128x128xf32, #tpu.memory_space<vmem>>
    %dma_wait3A_238 = tpu.memref_squeeze %dma_wait3A_237 : memref<1x128x128xf32, #tpu.memory_space<vmem>> -> memref<128x128xf32, #tpu.memory_space<vmem>>
    %dma_wait3A_239 = arith.constant 0 : i32
    %dma_wait3A_240 = tpu.memref_slice %arg4[%add3A_149, %dma_wait3A_239] : memref<16384x128xf32, #tpu.memory_space<hbm>> -> memref<128x128xf32, #tpu.memory_space<hbm>>
    %dma_wait3A_241 = tpu.memref_slice %arg7[%dma_wait3A_234] : memref<4x!tpu.dma_semaphore, #tpu.memory_space<semaphore_mem>> -> memref<1x!tpu.dma_semaphore, #tpu.memory_space<semaphore_mem>>
    %dma_wait3A_242 = tpu.memref_squeeze %dma_wait3A_241 : memref<1x!tpu.dma_semaphore, #tpu.memory_space<semaphore_mem>> -> memref<!tpu.dma_semaphore, #tpu.memory_space<semaphore_mem>>
    %dma_wait3A_243 = arith.constant 0 : i32
    %dma_wait3A_244 = tpu.memref_slice %arg4[%add3A_149, %dma_wait3A_243] : memref<16384x128xf32, #tpu.memory_space<hbm>> -> memref<128x128xf32, #tpu.memory_space<hbm>>
    %dma_wait3A_245 = arith.constant 0 : i32
    %dma_wait3A_246 = arith.constant 0 : i32
    %dma_wait3A_247 = tpu.memref_slice %arg6[%dma_wait3A_233, %dma_wait3A_245, %dma_wait3A_246] : memref<4x128x128xf32, #tpu.memory_space<vmem>> -> memref<1x128x128xf32, #tpu.memory_space<vmem>>
    %dma_wait3A_248 = tpu.memref_squeeze %dma_wait3A_247 : memref<1x128x128xf32, #tpu.memory_space<vmem>> -> memref<128x128xf32, #tpu.memory_space<vmem>>
    tpu.wait_dma2 semaphore(%dma_wait3A_242 : memref<!tpu.dma_semaphore, #tpu.memory_space<semaphore_mem>>) src(%dma_wait3A_248 : memref<128x128xf32, #tpu.memory_space<vmem>>) dst(%dma_wait3A_244 : memref<128x128xf32, #tpu.memory_space<hbm>>)
    %dma_wait3A_249 = arith.constant 3 : i32
    %dma_wait3A_250 = arith.constant 3 : i32
    %dma_wait3A_251 = arith.constant 0 : i32
    %dma_wait3A_252 = arith.constant 0 : i32
    %dma_wait3A_253 = tpu.memref_slice %arg6[%dma_wait3A_249, %dma_wait3A_251, %dma_wait3A_252] : memref<4x128x128xf32, #tpu.memory_space<vmem>> -> memref<1x128x128xf32, #tpu.memory_space<vmem>>
    %dma_wait3A_254 = tpu.memref_squeeze %dma_wait3A_253 : memref<1x128x128xf32, #tpu.memory_space<vmem>> -> memref<128x128xf32, #tpu.memory_space<vmem>>
    %dma_wait3A_255 = arith.constant 0 : i32
    %dma_wait3A_256 = tpu.memref_slice %arg4[%add3A_184, %dma_wait3A_255] : memref<16384x128xf32, #tpu.memory_space<hbm>> -> memref<128x128xf32, #tpu.memory_space<hbm>>
    %dma_wait3A_257 = tpu.memref_slice %arg7[%dma_wait3A_250] : memref<4x!tpu.dma_semaphore, #tpu.memory_space<semaphore_mem>> -> memref<1x!tpu.dma_semaphore, #tpu.memory_space<semaphore_mem>>
    %dma_wait3A_258 = tpu.memref_squeeze %dma_wait3A_257 : memref<1x!tpu.dma_semaphore, #tpu.memory_space<semaphore_mem>> -> memref<!tpu.dma_semaphore, #tpu.memory_space<semaphore_mem>>
    %dma_wait3A_259 = arith.constant 0 : i32
    %dma_wait3A_260 = tpu.memref_slice %arg4[%add3A_184, %dma_wait3A_259] : memref<16384x128xf32, #tpu.memory_space<hbm>> -> memref<128x128xf32, #tpu.memory_space<hbm>>
    %dma_wait3A_261 = arith.constant 0 : i32
    %dma_wait3A_262 = arith.constant 0 : i32
    %dma_wait3A_263 = tpu.memref_slice %arg6[%dma_wait3A_249, %dma_wait3A_261, %dma_wait3A_262] : memref<4x128x128xf32, #tpu.memory_space<vmem>> -> memref<1x128x128xf32, #tpu.memory_space<vmem>>
    %dma_wait3A_264 = tpu.memref_squeeze %dma_wait3A_263 : memref<1x128x128xf32, #tpu.memory_space<vmem>> -> memref<128x128xf32, #tpu.memory_space<vmem>>
    tpu.wait_dma2 semaphore(%dma_wait3A_258 : memref<!tpu.dma_semaphore, #tpu.memory_space<semaphore_mem>>) src(%dma_wait3A_264 : memref<128x128xf32, #tpu.memory_space<vmem>>) dst(%dma_wait3A_260 : memref<128x128xf32, #tpu.memory_space<hbm>>)
    return
  }
}

module attributes {stable_mosaic.version = 14 : i64} {
  func.func @_tc_body(%arg0: i32, %arg1: memref<2048x128xf32, #tpu.memory_space<vmem>>, %arg2: memref<2048x128xf32, #tpu.memory_space<vmem>>, %arg3: memref<16x128xi32, #tpu.memory_space<vmem>>, %arg4: memref<16x128xi32, #tpu.memory_space<vmem>>, %arg5: memref<128x128xf32, #tpu.memory_space<vmem>>, %arg6: memref<1x128xf32, #tpu.memory_space<vmem>>, %arg7: memref<128x512xbf16, #tpu.memory_space<vmem>>, %arg8: memref<128x128xbf16, #tpu.memory_space<vmem>>, %arg9: memref<512x256xf32, #tpu.memory_space<vmem>>, %arg10: memref<1x256xf32, #tpu.memory_space<vmem>>, %arg11: memref<2048x256xf32, #tpu.memory_space<vmem>>, %arg12: memref<128x2048xf32, #tpu.memory_space<vmem>>, %arg13: memref<128x2048xf32, #tpu.memory_space<vmem>>, %arg14: memref<128x256xf32, #tpu.memory_space<vmem>>, %arg15: memref<1x256xf32, #tpu.memory_space<vmem>>) attributes {dimension_semantics = [#tpu.dimension_semantics<arbitrary>], iteration_bounds = array<i64: 8>, scalar_prefetch = 0 : i64, scratch_operands = 4 : i64, tpu.core_type = #tpu.core_type<tc>, window_params = [{transform_indices = @transform_0, window_bounds = array<i64: 2048, 128>}, {transform_indices = @transform_1, window_bounds = array<i64: 2048, 128>}, {transform_indices = @transform_2, window_bounds = array<i64: 16, 128>}, {transform_indices = @transform_3, window_bounds = array<i64: 16, 128>}, {pipeline_mode = #tpu.pipeline_mode<synchronous>, transform_indices = @transform_4, window_bounds = array<i64: 128, 128>}, {pipeline_mode = #tpu.pipeline_mode<synchronous>, transform_indices = @transform_5, window_bounds = array<i64: 1, 128>}, {pipeline_mode = #tpu.pipeline_mode<synchronous>, transform_indices = @transform_6, window_bounds = array<i64: 128, 512>}, {pipeline_mode = #tpu.pipeline_mode<synchronous>, transform_indices = @transform_7, window_bounds = array<i64: 128, 128>}, {pipeline_mode = #tpu.pipeline_mode<synchronous>, transform_indices = @transform_8, window_bounds = array<i64: 512, 256>}, {pipeline_mode = #tpu.pipeline_mode<synchronous>, transform_indices = @transform_9, window_bounds = array<i64: 1, 256>}, {transform_indices = @transform_10, window_bounds = array<i64: 2048, 256>}]} {
    %eq3A = arith.constant 0 : i32
    %eq3A_0 = arith.cmpi eq, %arg0, %eq3A : i32
    %convert_element_type3A = arith.extui %eq3A_0 : i1 to i32
    %cond3A = arith.constant 0 : i32
    %cond3A_1 = arith.cmpi ne, %convert_element_type3A, %cond3A : i32
    scf.if %cond3A_1 {
      %get3A_615 = arith.constant 128 : index
      %get3A_616 = arith.constant 0 : index
      %get3A_617 = vector.load %arg9[%get3A_615, %get3A_616] : memref<512x256xf32, #tpu.memory_space<vmem>>, vector<128x256xf32>
      %get3A_618 = arith.constant 0 : index
      %get3A_619 = arith.constant 0 : index
      %get3A_620 = vector.load %arg5[%get3A_618, %get3A_619] : memref<128x128xf32, #tpu.memory_space<vmem>>, vector<128x128xf32>
      %dot_general3A_621 = arith.constant dense<0.000000e+00> : vector<128x256xf32>
      %dot_general3A_622 = tpu.matmul %get3A_620, %get3A_617, %dot_general3A_621 {dimension_numbers = #tpu.dot_dimension_numbers<[1], [0], [0], [1], [0, 0, 1, 1], [], []>, transpose_lhs_hint = false} : vector<128x128xf32>, vector<128x256xf32>, vector<128x256xf32> -> vector<128x256xf32>
      %swap3A_623 = arith.constant 0 : index
      %swap3A_624 = arith.constant 0 : index
      %swap3A_625 = vector.load %arg14[%swap3A_623, %swap3A_624] : memref<128x256xf32, #tpu.memory_space<vmem>>, vector<128x256xf32>
      tpu.vector_store %arg14[%swap3A_623, %swap3A_624], %dot_general3A_622 {strides = array<i32>} : memref<128x256xf32, #tpu.memory_space<vmem>>, vector<128x256xf32>,
      %get3A_626 = arith.constant 0 : index
      %get3A_627 = arith.constant 0 : index
      %get3A_628 = vector.load %arg6[%get3A_626, %get3A_627] : memref<1x128xf32, #tpu.memory_space<vmem>>, vector<1x128xf32>
      %dot_general3A_629 = arith.constant dense<0.000000e+00> : vector<1x256xf32>
      %dot_general3A_630 = tpu.matmul %get3A_628, %get3A_617, %dot_general3A_629 {dimension_numbers = #tpu.dot_dimension_numbers<[1], [0], [0], [1], [0, 0, 1, 1], [], []>, transpose_lhs_hint = false} : vector<1x128xf32>, vector<128x256xf32>, vector<1x256xf32> -> vector<1x256xf32>
      %get3A_631 = arith.constant 0 : index
      %get3A_632 = arith.constant 0 : index
      %get3A_633 = vector.load %arg10[%get3A_631, %get3A_632] : memref<1x256xf32, #tpu.memory_space<vmem>>, vector<1x256xf32>
      %add3A_634 = arith.addf %dot_general3A_630, %get3A_633 : vector<1x256xf32>
      %swap3A_635 = arith.constant 0 : index
      %swap3A_636 = arith.constant 0 : index
      %swap3A_637 = vector.load %arg15[%swap3A_635, %swap3A_636] : memref<1x256xf32, #tpu.memory_space<vmem>>, vector<1x256xf32>
      tpu.vector_store %arg15[%swap3A_635, %swap3A_636], %add3A_634 {strides = array<i32>} : memref<1x256xf32, #tpu.memory_space<vmem>>, vector<1x256xf32>,
    } else {
    }
    %get3A = arith.constant 0 : index
    %get3A_2 = arith.constant 0 : index
    %get3A_3 = vector.load %arg3[%get3A, %get3A_2] : memref<16x128xi32, #tpu.memory_space<vmem>>, vector<1x128xi32>
    %broadcast_in_dim3A = vector.shape_cast %get3A_3 : vector<1x128xi32> to vector<1x128xi32>
    %broadcast_in_dim3A_4 = vector.broadcast %broadcast_in_dim3A : vector<1x128xi32> to vector<512x128xi32>
    %iota3A = tpu.iota {dimensions = array<i32: 0>} : vector<512x128xi32>
    %eq3A_5 = arith.cmpi eq, %broadcast_in_dim3A_4, %iota3A : vector<512x128xi32>
    %convert_element_type3A_6 = arith.extui %eq3A_5 : vector<512x128xi1> to vector<512x128xi32>
    %convert_element_type3A_7 = arith.sitofp %convert_element_type3A_6 : vector<512x128xi32> to vector<512x128xf32>
    %convert_element_type3A_8 = arith.truncf %convert_element_type3A_7 : vector<512x128xf32> to vector<512x128xbf16>
    %get3A_9 = arith.constant 0 : index
    %get3A_10 = arith.constant 0 : index
    %get3A_11 = vector.load %arg7[%get3A_9, %get3A_10] : memref<128x512xbf16, #tpu.memory_space<vmem>>, vector<128x512xbf16>
    %dot_general3A = arith.constant dense<0.000000e+00> : vector<128x128xf32>
    %dot_general3A_12 = tpu.matmul %get3A_11, %convert_element_type3A_8, %dot_general3A {dimension_numbers = #tpu.dot_dimension_numbers<[1], [0], [0], [1], [0, 0, 1, 1], [], []>, transpose_lhs_hint = false} : vector<128x512xbf16>, vector<512x128xbf16>, vector<128x128xf32> -> vector<128x128xf32>
    %swap3A = arith.constant 0 : index
    %swap3A_13 = arith.constant 0 : index
    %swap3A_14 = vector.load %arg12[%swap3A, %swap3A_13] : memref<128x2048xf32, #tpu.memory_space<vmem>>, vector<128x128xf32>
    tpu.vector_store %arg12[%swap3A, %swap3A_13], %dot_general3A_12 {strides = array<i32>} : memref<128x2048xf32, #tpu.memory_space<vmem>>, vector<128x128xf32>,
    %get3A_15 = arith.constant 0 : index
    %get3A_16 = arith.constant 0 : index
    %get3A_17 = vector.load %arg4[%get3A_15, %get3A_16] : memref<16x128xi32, #tpu.memory_space<vmem>>, vector<1x128xi32>
    %broadcast_in_dim3A_18 = vector.shape_cast %get3A_17 : vector<1x128xi32> to vector<1x128xi32>
    %broadcast_in_dim3A_19 = vector.broadcast %broadcast_in_dim3A_18 : vector<1x128xi32> to vector<128x128xi32>
    %iota3A_20 = tpu.iota {dimensions = array<i32: 0>} : vector<128x128xi32>
    %eq3A_21 = arith.cmpi eq, %broadcast_in_dim3A_19, %iota3A_20 : vector<128x128xi32>
    %convert_element_type3A_22 = arith.extui %eq3A_21 : vector<128x128xi1> to vector<128x128xi32>
    %convert_element_type3A_23 = arith.sitofp %convert_element_type3A_22 : vector<128x128xi32> to vector<128x128xf32>
    %convert_element_type3A_24 = arith.truncf %convert_element_type3A_23 : vector<128x128xf32> to vector<128x128xbf16>
    %get3A_25 = arith.constant 0 : index
    %get3A_26 = arith.constant 0 : index
    %get3A_27 = vector.load %arg8[%get3A_25, %get3A_26] : memref<128x128xbf16, #tpu.memory_space<vmem>>, vector<128x128xbf16>
    %dot_general3A_28 = arith.constant dense<0.000000e+00> : vector<128x128xf32>
    %dot_general3A_29 = tpu.matmul %get3A_27, %convert_element_type3A_24, %dot_general3A_28 {dimension_numbers = #tpu.dot_dimension_numbers<[1], [0], [0], [1], [0, 0, 1, 1], [], []>, transpose_lhs_hint = false} : vector<128x128xbf16>, vector<128x128xbf16>, vector<128x128xf32> -> vector<128x128xf32>
    %swap3A_30 = arith.constant 0 : index
    %swap3A_31 = arith.constant 0 : index
    %swap3A_32 = vector.load %arg13[%swap3A_30, %swap3A_31] : memref<128x2048xf32, #tpu.memory_space<vmem>>, vector<128x128xf32>
    tpu.vector_store %arg13[%swap3A_30, %swap3A_31], %dot_general3A_29 {strides = array<i32>} : memref<128x2048xf32, #tpu.memory_space<vmem>>, vector<128x128xf32>,
    %get3A_33 = arith.constant 1 : index
    %get3A_34 = arith.constant 0 : index
    %get3A_35 = vector.load %arg3[%get3A_33, %get3A_34] : memref<16x128xi32, #tpu.memory_space<vmem>>, vector<1x128xi32>
    %broadcast_in_dim3A_36 = vector.shape_cast %get3A_35 : vector<1x128xi32> to vector<1x128xi32>
    %broadcast_in_dim3A_37 = vector.broadcast %broadcast_in_dim3A_36 : vector<1x128xi32> to vector<512x128xi32>
    %iota3A_38 = tpu.iota {dimensions = array<i32: 0>} : vector<512x128xi32>
    %eq3A_39 = arith.cmpi eq, %broadcast_in_dim3A_37, %iota3A_38 : vector<512x128xi32>
    %convert_element_type3A_40 = arith.extui %eq3A_39 : vector<512x128xi1> to vector<512x128xi32>
    %convert_element_type3A_41 = arith.sitofp %convert_element_type3A_40 : vector<512x128xi32> to vector<512x128xf32>
    %convert_element_type3A_42 = arith.truncf %convert_element_type3A_41 : vector<512x128xf32> to vector<512x128xbf16>
    %get3A_43 = arith.constant 0 : index
    %get3A_44 = arith.constant 0 : index
    %get3A_45 = vector.load %arg7[%get3A_43, %get3A_44] : memref<128x512xbf16, #tpu.memory_space<vmem>>, vector<128x512xbf16>
    %dot_general3A_46 = arith.constant dense<0.000000e+00> : vector<128x128xf32>
    %dot_general3A_47 = tpu.matmul %get3A_45, %convert_element_type3A_42, %dot_general3A_46 {dimension_numbers = #tpu.dot_dimension_numbers<[1], [0], [0], [1], [0, 0, 1, 1], [], []>, transpose_lhs_hint = false} : vector<128x512xbf16>, vector<512x128xbf16>, vector<128x128xf32> -> vector<128x128xf32>
    %swap3A_48 = arith.constant 0 : index
    %swap3A_49 = arith.constant 128 : index
    %swap3A_50 = vector.load %arg12[%swap3A_48, %swap3A_49] : memref<128x2048xf32, #tpu.memory_space<vmem>>, vector<128x128xf32>
    tpu.vector_store %arg12[%swap3A_48, %swap3A_49], %dot_general3A_47 {strides = array<i32>} : memref<128x2048xf32, #tpu.memory_space<vmem>>, vector<128x128xf32>,
    %get3A_51 = arith.constant 1 : index
    %get3A_52 = arith.constant 0 : index
    %get3A_53 = vector.load %arg4[%get3A_51, %get3A_52] : memref<16x128xi32, #tpu.memory_space<vmem>>, vector<1x128xi32>
    %broadcast_in_dim3A_54 = vector.shape_cast %get3A_53 : vector<1x128xi32> to vector<1x128xi32>
    %broadcast_in_dim3A_55 = vector.broadcast %broadcast_in_dim3A_54 : vector<1x128xi32> to vector<128x128xi32>
    %iota3A_56 = tpu.iota {dimensions = array<i32: 0>} : vector<128x128xi32>
    %eq3A_57 = arith.cmpi eq, %broadcast_in_dim3A_55, %iota3A_56 : vector<128x128xi32>
    %convert_element_type3A_58 = arith.extui %eq3A_57 : vector<128x128xi1> to vector<128x128xi32>
    %convert_element_type3A_59 = arith.sitofp %convert_element_type3A_58 : vector<128x128xi32> to vector<128x128xf32>
    %convert_element_type3A_60 = arith.truncf %convert_element_type3A_59 : vector<128x128xf32> to vector<128x128xbf16>
    %get3A_61 = arith.constant 0 : index
    %get3A_62 = arith.constant 0 : index
    %get3A_63 = vector.load %arg8[%get3A_61, %get3A_62] : memref<128x128xbf16, #tpu.memory_space<vmem>>, vector<128x128xbf16>
    %dot_general3A_64 = arith.constant dense<0.000000e+00> : vector<128x128xf32>
    %dot_general3A_65 = tpu.matmul %get3A_63, %convert_element_type3A_60, %dot_general3A_64 {dimension_numbers = #tpu.dot_dimension_numbers<[1], [0], [0], [1], [0, 0, 1, 1], [], []>, transpose_lhs_hint = false} : vector<128x128xbf16>, vector<128x128xbf16>, vector<128x128xf32> -> vector<128x128xf32>
    %swap3A_66 = arith.constant 0 : index
    %swap3A_67 = arith.constant 128 : index
    %swap3A_68 = vector.load %arg13[%swap3A_66, %swap3A_67] : memref<128x2048xf32, #tpu.memory_space<vmem>>, vector<128x128xf32>
    tpu.vector_store %arg13[%swap3A_66, %swap3A_67], %dot_general3A_65 {strides = array<i32>} : memref<128x2048xf32, #tpu.memory_space<vmem>>, vector<128x128xf32>,
    %get3A_69 = arith.constant 2 : index
    %get3A_70 = arith.constant 0 : index
    %get3A_71 = vector.load %arg3[%get3A_69, %get3A_70] : memref<16x128xi32, #tpu.memory_space<vmem>>, vector<1x128xi32>
    %broadcast_in_dim3A_72 = vector.shape_cast %get3A_71 : vector<1x128xi32> to vector<1x128xi32>
    %broadcast_in_dim3A_73 = vector.broadcast %broadcast_in_dim3A_72 : vector<1x128xi32> to vector<512x128xi32>
    %iota3A_74 = tpu.iota {dimensions = array<i32: 0>} : vector<512x128xi32>
    %eq3A_75 = arith.cmpi eq, %broadcast_in_dim3A_73, %iota3A_74 : vector<512x128xi32>
    %convert_element_type3A_76 = arith.extui %eq3A_75 : vector<512x128xi1> to vector<512x128xi32>
    %convert_element_type3A_77 = arith.sitofp %convert_element_type3A_76 : vector<512x128xi32> to vector<512x128xf32>
    %convert_element_type3A_78 = arith.truncf %convert_element_type3A_77 : vector<512x128xf32> to vector<512x128xbf16>
    %get3A_79 = arith.constant 0 : index
    %get3A_80 = arith.constant 0 : index
    %get3A_81 = vector.load %arg7[%get3A_79, %get3A_80] : memref<128x512xbf16, #tpu.memory_space<vmem>>, vector<128x512xbf16>
    %dot_general3A_82 = arith.constant dense<0.000000e+00> : vector<128x128xf32>
    %dot_general3A_83 = tpu.matmul %get3A_81, %convert_element_type3A_78, %dot_general3A_82 {dimension_numbers = #tpu.dot_dimension_numbers<[1], [0], [0], [1], [0, 0, 1, 1], [], []>, transpose_lhs_hint = false} : vector<128x512xbf16>, vector<512x128xbf16>, vector<128x128xf32> -> vector<128x128xf32>
    %swap3A_84 = arith.constant 0 : index
    %swap3A_85 = arith.constant 256 : index
    %swap3A_86 = vector.load %arg12[%swap3A_84, %swap3A_85] : memref<128x2048xf32, #tpu.memory_space<vmem>>, vector<128x128xf32>
    tpu.vector_store %arg12[%swap3A_84, %swap3A_85], %dot_general3A_83 {strides = array<i32>} : memref<128x2048xf32, #tpu.memory_space<vmem>>, vector<128x128xf32>,
    %get3A_87 = arith.constant 2 : index
    %get3A_88 = arith.constant 0 : index
    %get3A_89 = vector.load %arg4[%get3A_87, %get3A_88] : memref<16x128xi32, #tpu.memory_space<vmem>>, vector<1x128xi32>
    %broadcast_in_dim3A_90 = vector.shape_cast %get3A_89 : vector<1x128xi32> to vector<1x128xi32>
    %broadcast_in_dim3A_91 = vector.broadcast %broadcast_in_dim3A_90 : vector<1x128xi32> to vector<128x128xi32>
    %iota3A_92 = tpu.iota {dimensions = array<i32: 0>} : vector<128x128xi32>
    %eq3A_93 = arith.cmpi eq, %broadcast_in_dim3A_91, %iota3A_92 : vector<128x128xi32>
    %convert_element_type3A_94 = arith.extui %eq3A_93 : vector<128x128xi1> to vector<128x128xi32>
    %convert_element_type3A_95 = arith.sitofp %convert_element_type3A_94 : vector<128x128xi32> to vector<128x128xf32>
    %convert_element_type3A_96 = arith.truncf %convert_element_type3A_95 : vector<128x128xf32> to vector<128x128xbf16>
    %get3A_97 = arith.constant 0 : index
    %get3A_98 = arith.constant 0 : index
    %get3A_99 = vector.load %arg8[%get3A_97, %get3A_98] : memref<128x128xbf16, #tpu.memory_space<vmem>>, vector<128x128xbf16>
    %dot_general3A_100 = arith.constant dense<0.000000e+00> : vector<128x128xf32>
    %dot_general3A_101 = tpu.matmul %get3A_99, %convert_element_type3A_96, %dot_general3A_100 {dimension_numbers = #tpu.dot_dimension_numbers<[1], [0], [0], [1], [0, 0, 1, 1], [], []>, transpose_lhs_hint = false} : vector<128x128xbf16>, vector<128x128xbf16>, vector<128x128xf32> -> vector<128x128xf32>
    %swap3A_102 = arith.constant 0 : index
    %swap3A_103 = arith.constant 256 : index
    %swap3A_104 = vector.load %arg13[%swap3A_102, %swap3A_103] : memref<128x2048xf32, #tpu.memory_space<vmem>>, vector<128x128xf32>
    tpu.vector_store %arg13[%swap3A_102, %swap3A_103], %dot_general3A_101 {strides = array<i32>} : memref<128x2048xf32, #tpu.memory_space<vmem>>, vector<128x128xf32>,
    %get3A_105 = arith.constant 3 : index
    %get3A_106 = arith.constant 0 : index
    %get3A_107 = vector.load %arg3[%get3A_105, %get3A_106] : memref<16x128xi32, #tpu.memory_space<vmem>>, vector<1x128xi32>
    %broadcast_in_dim3A_108 = vector.shape_cast %get3A_107 : vector<1x128xi32> to vector<1x128xi32>
    %broadcast_in_dim3A_109 = vector.broadcast %broadcast_in_dim3A_108 : vector<1x128xi32> to vector<512x128xi32>
    %iota3A_110 = tpu.iota {dimensions = array<i32: 0>} : vector<512x128xi32>
    %eq3A_111 = arith.cmpi eq, %broadcast_in_dim3A_109, %iota3A_110 : vector<512x128xi32>
    %convert_element_type3A_112 = arith.extui %eq3A_111 : vector<512x128xi1> to vector<512x128xi32>
    %convert_element_type3A_113 = arith.sitofp %convert_element_type3A_112 : vector<512x128xi32> to vector<512x128xf32>
    %convert_element_type3A_114 = arith.truncf %convert_element_type3A_113 : vector<512x128xf32> to vector<512x128xbf16>
    %get3A_115 = arith.constant 0 : index
    %get3A_116 = arith.constant 0 : index
    %get3A_117 = vector.load %arg7[%get3A_115, %get3A_116] : memref<128x512xbf16, #tpu.memory_space<vmem>>, vector<128x512xbf16>
    %dot_general3A_118 = arith.constant dense<0.000000e+00> : vector<128x128xf32>
    %dot_general3A_119 = tpu.matmul %get3A_117, %convert_element_type3A_114, %dot_general3A_118 {dimension_numbers = #tpu.dot_dimension_numbers<[1], [0], [0], [1], [0, 0, 1, 1], [], []>, transpose_lhs_hint = false} : vector<128x512xbf16>, vector<512x128xbf16>, vector<128x128xf32> -> vector<128x128xf32>
    %swap3A_120 = arith.constant 0 : index
    %swap3A_121 = arith.constant 384 : index
    %swap3A_122 = vector.load %arg12[%swap3A_120, %swap3A_121] : memref<128x2048xf32, #tpu.memory_space<vmem>>, vector<128x128xf32>
    tpu.vector_store %arg12[%swap3A_120, %swap3A_121], %dot_general3A_119 {strides = array<i32>} : memref<128x2048xf32, #tpu.memory_space<vmem>>, vector<128x128xf32>,
    %get3A_123 = arith.constant 3 : index
    %get3A_124 = arith.constant 0 : index
    %get3A_125 = vector.load %arg4[%get3A_123, %get3A_124] : memref<16x128xi32, #tpu.memory_space<vmem>>, vector<1x128xi32>
    %broadcast_in_dim3A_126 = vector.shape_cast %get3A_125 : vector<1x128xi32> to vector<1x128xi32>
    %broadcast_in_dim3A_127 = vector.broadcast %broadcast_in_dim3A_126 : vector<1x128xi32> to vector<128x128xi32>
    %iota3A_128 = tpu.iota {dimensions = array<i32: 0>} : vector<128x128xi32>
    %eq3A_129 = arith.cmpi eq, %broadcast_in_dim3A_127, %iota3A_128 : vector<128x128xi32>
    %convert_element_type3A_130 = arith.extui %eq3A_129 : vector<128x128xi1> to vector<128x128xi32>
    %convert_element_type3A_131 = arith.sitofp %convert_element_type3A_130 : vector<128x128xi32> to vector<128x128xf32>
    %convert_element_type3A_132 = arith.truncf %convert_element_type3A_131 : vector<128x128xf32> to vector<128x128xbf16>
    %get3A_133 = arith.constant 0 : index
    %get3A_134 = arith.constant 0 : index
    %get3A_135 = vector.load %arg8[%get3A_133, %get3A_134] : memref<128x128xbf16, #tpu.memory_space<vmem>>, vector<128x128xbf16>
    %dot_general3A_136 = arith.constant dense<0.000000e+00> : vector<128x128xf32>
    %dot_general3A_137 = tpu.matmul %get3A_135, %convert_element_type3A_132, %dot_general3A_136 {dimension_numbers = #tpu.dot_dimension_numbers<[1], [0], [0], [1], [0, 0, 1, 1], [], []>, transpose_lhs_hint = false} : vector<128x128xbf16>, vector<128x128xbf16>, vector<128x128xf32> -> vector<128x128xf32>
    %swap3A_138 = arith.constant 0 : index
    %swap3A_139 = arith.constant 384 : index
    %swap3A_140 = vector.load %arg13[%swap3A_138, %swap3A_139] : memref<128x2048xf32, #tpu.memory_space<vmem>>, vector<128x128xf32>
    tpu.vector_store %arg13[%swap3A_138, %swap3A_139], %dot_general3A_137 {strides = array<i32>} : memref<128x2048xf32, #tpu.memory_space<vmem>>, vector<128x128xf32>,
    %get3A_141 = arith.constant 4 : index
    %get3A_142 = arith.constant 0 : index
    %get3A_143 = vector.load %arg3[%get3A_141, %get3A_142] : memref<16x128xi32, #tpu.memory_space<vmem>>, vector<1x128xi32>
    %broadcast_in_dim3A_144 = vector.shape_cast %get3A_143 : vector<1x128xi32> to vector<1x128xi32>
    %broadcast_in_dim3A_145 = vector.broadcast %broadcast_in_dim3A_144 : vector<1x128xi32> to vector<512x128xi32>
    %iota3A_146 = tpu.iota {dimensions = array<i32: 0>} : vector<512x128xi32>
    %eq3A_147 = arith.cmpi eq, %broadcast_in_dim3A_145, %iota3A_146 : vector<512x128xi32>
    %convert_element_type3A_148 = arith.extui %eq3A_147 : vector<512x128xi1> to vector<512x128xi32>
    %convert_element_type3A_149 = arith.sitofp %convert_element_type3A_148 : vector<512x128xi32> to vector<512x128xf32>
    %convert_element_type3A_150 = arith.truncf %convert_element_type3A_149 : vector<512x128xf32> to vector<512x128xbf16>
    %get3A_151 = arith.constant 0 : index
    %get3A_152 = arith.constant 0 : index
    %get3A_153 = vector.load %arg7[%get3A_151, %get3A_152] : memref<128x512xbf16, #tpu.memory_space<vmem>>, vector<128x512xbf16>
    %dot_general3A_154 = arith.constant dense<0.000000e+00> : vector<128x128xf32>
    %dot_general3A_155 = tpu.matmul %get3A_153, %convert_element_type3A_150, %dot_general3A_154 {dimension_numbers = #tpu.dot_dimension_numbers<[1], [0], [0], [1], [0, 0, 1, 1], [], []>, transpose_lhs_hint = false} : vector<128x512xbf16>, vector<512x128xbf16>, vector<128x128xf32> -> vector<128x128xf32>
    %swap3A_156 = arith.constant 0 : index
    %swap3A_157 = arith.constant 512 : index
    %swap3A_158 = vector.load %arg12[%swap3A_156, %swap3A_157] : memref<128x2048xf32, #tpu.memory_space<vmem>>, vector<128x128xf32>
    tpu.vector_store %arg12[%swap3A_156, %swap3A_157], %dot_general3A_155 {strides = array<i32>} : memref<128x2048xf32, #tpu.memory_space<vmem>>, vector<128x128xf32>,
    %get3A_159 = arith.constant 4 : index
    %get3A_160 = arith.constant 0 : index
    %get3A_161 = vector.load %arg4[%get3A_159, %get3A_160] : memref<16x128xi32, #tpu.memory_space<vmem>>, vector<1x128xi32>
    %broadcast_in_dim3A_162 = vector.shape_cast %get3A_161 : vector<1x128xi32> to vector<1x128xi32>
    %broadcast_in_dim3A_163 = vector.broadcast %broadcast_in_dim3A_162 : vector<1x128xi32> to vector<128x128xi32>
    %iota3A_164 = tpu.iota {dimensions = array<i32: 0>} : vector<128x128xi32>
    %eq3A_165 = arith.cmpi eq, %broadcast_in_dim3A_163, %iota3A_164 : vector<128x128xi32>
    %convert_element_type3A_166 = arith.extui %eq3A_165 : vector<128x128xi1> to vector<128x128xi32>
    %convert_element_type3A_167 = arith.sitofp %convert_element_type3A_166 : vector<128x128xi32> to vector<128x128xf32>
    %convert_element_type3A_168 = arith.truncf %convert_element_type3A_167 : vector<128x128xf32> to vector<128x128xbf16>
    %get3A_169 = arith.constant 0 : index
    %get3A_170 = arith.constant 0 : index
    %get3A_171 = vector.load %arg8[%get3A_169, %get3A_170] : memref<128x128xbf16, #tpu.memory_space<vmem>>, vector<128x128xbf16>
    %dot_general3A_172 = arith.constant dense<0.000000e+00> : vector<128x128xf32>
    %dot_general3A_173 = tpu.matmul %get3A_171, %convert_element_type3A_168, %dot_general3A_172 {dimension_numbers = #tpu.dot_dimension_numbers<[1], [0], [0], [1], [0, 0, 1, 1], [], []>, transpose_lhs_hint = false} : vector<128x128xbf16>, vector<128x128xbf16>, vector<128x128xf32> -> vector<128x128xf32>
    %swap3A_174 = arith.constant 0 : index
    %swap3A_175 = arith.constant 512 : index
    %swap3A_176 = vector.load %arg13[%swap3A_174, %swap3A_175] : memref<128x2048xf32, #tpu.memory_space<vmem>>, vector<128x128xf32>
    tpu.vector_store %arg13[%swap3A_174, %swap3A_175], %dot_general3A_173 {strides = array<i32>} : memref<128x2048xf32, #tpu.memory_space<vmem>>, vector<128x128xf32>,
    %get3A_177 = arith.constant 5 : index
    %get3A_178 = arith.constant 0 : index
    %get3A_179 = vector.load %arg3[%get3A_177, %get3A_178] : memref<16x128xi32, #tpu.memory_space<vmem>>, vector<1x128xi32>
    %broadcast_in_dim3A_180 = vector.shape_cast %get3A_179 : vector<1x128xi32> to vector<1x128xi32>
    %broadcast_in_dim3A_181 = vector.broadcast %broadcast_in_dim3A_180 : vector<1x128xi32> to vector<512x128xi32>
    %iota3A_182 = tpu.iota {dimensions = array<i32: 0>} : vector<512x128xi32>
    %eq3A_183 = arith.cmpi eq, %broadcast_in_dim3A_181, %iota3A_182 : vector<512x128xi32>
    %convert_element_type3A_184 = arith.extui %eq3A_183 : vector<512x128xi1> to vector<512x128xi32>
    %convert_element_type3A_185 = arith.sitofp %convert_element_type3A_184 : vector<512x128xi32> to vector<512x128xf32>
    %convert_element_type3A_186 = arith.truncf %convert_element_type3A_185 : vector<512x128xf32> to vector<512x128xbf16>
    %get3A_187 = arith.constant 0 : index
    %get3A_188 = arith.constant 0 : index
    %get3A_189 = vector.load %arg7[%get3A_187, %get3A_188] : memref<128x512xbf16, #tpu.memory_space<vmem>>, vector<128x512xbf16>
    %dot_general3A_190 = arith.constant dense<0.000000e+00> : vector<128x128xf32>
    %dot_general3A_191 = tpu.matmul %get3A_189, %convert_element_type3A_186, %dot_general3A_190 {dimension_numbers = #tpu.dot_dimension_numbers<[1], [0], [0], [1], [0, 0, 1, 1], [], []>, transpose_lhs_hint = false} : vector<128x512xbf16>, vector<512x128xbf16>, vector<128x128xf32> -> vector<128x128xf32>
    %swap3A_192 = arith.constant 0 : index
    %swap3A_193 = arith.constant 640 : index
    %swap3A_194 = vector.load %arg12[%swap3A_192, %swap3A_193] : memref<128x2048xf32, #tpu.memory_space<vmem>>, vector<128x128xf32>
    tpu.vector_store %arg12[%swap3A_192, %swap3A_193], %dot_general3A_191 {strides = array<i32>} : memref<128x2048xf32, #tpu.memory_space<vmem>>, vector<128x128xf32>,
    %get3A_195 = arith.constant 5 : index
    %get3A_196 = arith.constant 0 : index
    %get3A_197 = vector.load %arg4[%get3A_195, %get3A_196] : memref<16x128xi32, #tpu.memory_space<vmem>>, vector<1x128xi32>
    %broadcast_in_dim3A_198 = vector.shape_cast %get3A_197 : vector<1x128xi32> to vector<1x128xi32>
    %broadcast_in_dim3A_199 = vector.broadcast %broadcast_in_dim3A_198 : vector<1x128xi32> to vector<128x128xi32>
    %iota3A_200 = tpu.iota {dimensions = array<i32: 0>} : vector<128x128xi32>
    %eq3A_201 = arith.cmpi eq, %broadcast_in_dim3A_199, %iota3A_200 : vector<128x128xi32>
    %convert_element_type3A_202 = arith.extui %eq3A_201 : vector<128x128xi1> to vector<128x128xi32>
    %convert_element_type3A_203 = arith.sitofp %convert_element_type3A_202 : vector<128x128xi32> to vector<128x128xf32>
    %convert_element_type3A_204 = arith.truncf %convert_element_type3A_203 : vector<128x128xf32> to vector<128x128xbf16>
    %get3A_205 = arith.constant 0 : index
    %get3A_206 = arith.constant 0 : index
    %get3A_207 = vector.load %arg8[%get3A_205, %get3A_206] : memref<128x128xbf16, #tpu.memory_space<vmem>>, vector<128x128xbf16>
    %dot_general3A_208 = arith.constant dense<0.000000e+00> : vector<128x128xf32>
    %dot_general3A_209 = tpu.matmul %get3A_207, %convert_element_type3A_204, %dot_general3A_208 {dimension_numbers = #tpu.dot_dimension_numbers<[1], [0], [0], [1], [0, 0, 1, 1], [], []>, transpose_lhs_hint = false} : vector<128x128xbf16>, vector<128x128xbf16>, vector<128x128xf32> -> vector<128x128xf32>
    %swap3A_210 = arith.constant 0 : index
    %swap3A_211 = arith.constant 640 : index
    %swap3A_212 = vector.load %arg13[%swap3A_210, %swap3A_211] : memref<128x2048xf32, #tpu.memory_space<vmem>>, vector<128x128xf32>
    tpu.vector_store %arg13[%swap3A_210, %swap3A_211], %dot_general3A_209 {strides = array<i32>} : memref<128x2048xf32, #tpu.memory_space<vmem>>, vector<128x128xf32>,
    %get3A_213 = arith.constant 6 : index
    %get3A_214 = arith.constant 0 : index
    %get3A_215 = vector.load %arg3[%get3A_213, %get3A_214] : memref<16x128xi32, #tpu.memory_space<vmem>>, vector<1x128xi32>
    %broadcast_in_dim3A_216 = vector.shape_cast %get3A_215 : vector<1x128xi32> to vector<1x128xi32>
    %broadcast_in_dim3A_217 = vector.broadcast %broadcast_in_dim3A_216 : vector<1x128xi32> to vector<512x128xi32>
    %iota3A_218 = tpu.iota {dimensions = array<i32: 0>} : vector<512x128xi32>
    %eq3A_219 = arith.cmpi eq, %broadcast_in_dim3A_217, %iota3A_218 : vector<512x128xi32>
    %convert_element_type3A_220 = arith.extui %eq3A_219 : vector<512x128xi1> to vector<512x128xi32>
    %convert_element_type3A_221 = arith.sitofp %convert_element_type3A_220 : vector<512x128xi32> to vector<512x128xf32>
    %convert_element_type3A_222 = arith.truncf %convert_element_type3A_221 : vector<512x128xf32> to vector<512x128xbf16>
    %get3A_223 = arith.constant 0 : index
    %get3A_224 = arith.constant 0 : index
    %get3A_225 = vector.load %arg7[%get3A_223, %get3A_224] : memref<128x512xbf16, #tpu.memory_space<vmem>>, vector<128x512xbf16>
    %dot_general3A_226 = arith.constant dense<0.000000e+00> : vector<128x128xf32>
    %dot_general3A_227 = tpu.matmul %get3A_225, %convert_element_type3A_222, %dot_general3A_226 {dimension_numbers = #tpu.dot_dimension_numbers<[1], [0], [0], [1], [0, 0, 1, 1], [], []>, transpose_lhs_hint = false} : vector<128x512xbf16>, vector<512x128xbf16>, vector<128x128xf32> -> vector<128x128xf32>
    %swap3A_228 = arith.constant 0 : index
    %swap3A_229 = arith.constant 768 : index
    %swap3A_230 = vector.load %arg12[%swap3A_228, %swap3A_229] : memref<128x2048xf32, #tpu.memory_space<vmem>>, vector<128x128xf32>
    tpu.vector_store %arg12[%swap3A_228, %swap3A_229], %dot_general3A_227 {strides = array<i32>} : memref<128x2048xf32, #tpu.memory_space<vmem>>, vector<128x128xf32>,
    %get3A_231 = arith.constant 6 : index
    %get3A_232 = arith.constant 0 : index
    %get3A_233 = vector.load %arg4[%get3A_231, %get3A_232] : memref<16x128xi32, #tpu.memory_space<vmem>>, vector<1x128xi32>
    %broadcast_in_dim3A_234 = vector.shape_cast %get3A_233 : vector<1x128xi32> to vector<1x128xi32>
    %broadcast_in_dim3A_235 = vector.broadcast %broadcast_in_dim3A_234 : vector<1x128xi32> to vector<128x128xi32>
    %iota3A_236 = tpu.iota {dimensions = array<i32: 0>} : vector<128x128xi32>
    %eq3A_237 = arith.cmpi eq, %broadcast_in_dim3A_235, %iota3A_236 : vector<128x128xi32>
    %convert_element_type3A_238 = arith.extui %eq3A_237 : vector<128x128xi1> to vector<128x128xi32>
    %convert_element_type3A_239 = arith.sitofp %convert_element_type3A_238 : vector<128x128xi32> to vector<128x128xf32>
    %convert_element_type3A_240 = arith.truncf %convert_element_type3A_239 : vector<128x128xf32> to vector<128x128xbf16>
    %get3A_241 = arith.constant 0 : index
    %get3A_242 = arith.constant 0 : index
    %get3A_243 = vector.load %arg8[%get3A_241, %get3A_242] : memref<128x128xbf16, #tpu.memory_space<vmem>>, vector<128x128xbf16>
    %dot_general3A_244 = arith.constant dense<0.000000e+00> : vector<128x128xf32>
    %dot_general3A_245 = tpu.matmul %get3A_243, %convert_element_type3A_240, %dot_general3A_244 {dimension_numbers = #tpu.dot_dimension_numbers<[1], [0], [0], [1], [0, 0, 1, 1], [], []>, transpose_lhs_hint = false} : vector<128x128xbf16>, vector<128x128xbf16>, vector<128x128xf32> -> vector<128x128xf32>
    %swap3A_246 = arith.constant 0 : index
    %swap3A_247 = arith.constant 768 : index
    %swap3A_248 = vector.load %arg13[%swap3A_246, %swap3A_247] : memref<128x2048xf32, #tpu.memory_space<vmem>>, vector<128x128xf32>
    tpu.vector_store %arg13[%swap3A_246, %swap3A_247], %dot_general3A_245 {strides = array<i32>} : memref<128x2048xf32, #tpu.memory_space<vmem>>, vector<128x128xf32>,
    %get3A_249 = arith.constant 7 : index
    %get3A_250 = arith.constant 0 : index
    %get3A_251 = vector.load %arg3[%get3A_249, %get3A_250] : memref<16x128xi32, #tpu.memory_space<vmem>>, vector<1x128xi32>
    %broadcast_in_dim3A_252 = vector.shape_cast %get3A_251 : vector<1x128xi32> to vector<1x128xi32>
    %broadcast_in_dim3A_253 = vector.broadcast %broadcast_in_dim3A_252 : vector<1x128xi32> to vector<512x128xi32>
    %iota3A_254 = tpu.iota {dimensions = array<i32: 0>} : vector<512x128xi32>
    %eq3A_255 = arith.cmpi eq, %broadcast_in_dim3A_253, %iota3A_254 : vector<512x128xi32>
    %convert_element_type3A_256 = arith.extui %eq3A_255 : vector<512x128xi1> to vector<512x128xi32>
    %convert_element_type3A_257 = arith.sitofp %convert_element_type3A_256 : vector<512x128xi32> to vector<512x128xf32>
    %convert_element_type3A_258 = arith.truncf %convert_element_type3A_257 : vector<512x128xf32> to vector<512x128xbf16>
    %get3A_259 = arith.constant 0 : index
    %get3A_260 = arith.constant 0 : index
    %get3A_261 = vector.load %arg7[%get3A_259, %get3A_260] : memref<128x512xbf16, #tpu.memory_space<vmem>>, vector<128x512xbf16>
    %dot_general3A_262 = arith.constant dense<0.000000e+00> : vector<128x128xf32>
    %dot_general3A_263 = tpu.matmul %get3A_261, %convert_element_type3A_258, %dot_general3A_262 {dimension_numbers = #tpu.dot_dimension_numbers<[1], [0], [0], [1], [0, 0, 1, 1], [], []>, transpose_lhs_hint = false} : vector<128x512xbf16>, vector<512x128xbf16>, vector<128x128xf32> -> vector<128x128xf32>
    %swap3A_264 = arith.constant 0 : index
    %swap3A_265 = arith.constant 896 : index
    %swap3A_266 = vector.load %arg12[%swap3A_264, %swap3A_265] : memref<128x2048xf32, #tpu.memory_space<vmem>>, vector<128x128xf32>
    tpu.vector_store %arg12[%swap3A_264, %swap3A_265], %dot_general3A_263 {strides = array<i32>} : memref<128x2048xf32, #tpu.memory_space<vmem>>, vector<128x128xf32>,
    %get3A_267 = arith.constant 7 : index
    %get3A_268 = arith.constant 0 : index
    %get3A_269 = vector.load %arg4[%get3A_267, %get3A_268] : memref<16x128xi32, #tpu.memory_space<vmem>>, vector<1x128xi32>
    %broadcast_in_dim3A_270 = vector.shape_cast %get3A_269 : vector<1x128xi32> to vector<1x128xi32>
    %broadcast_in_dim3A_271 = vector.broadcast %broadcast_in_dim3A_270 : vector<1x128xi32> to vector<128x128xi32>
    %iota3A_272 = tpu.iota {dimensions = array<i32: 0>} : vector<128x128xi32>
    %eq3A_273 = arith.cmpi eq, %broadcast_in_dim3A_271, %iota3A_272 : vector<128x128xi32>
    %convert_element_type3A_274 = arith.extui %eq3A_273 : vector<128x128xi1> to vector<128x128xi32>
    %convert_element_type3A_275 = arith.sitofp %convert_element_type3A_274 : vector<128x128xi32> to vector<128x128xf32>
    %convert_element_type3A_276 = arith.truncf %convert_element_type3A_275 : vector<128x128xf32> to vector<128x128xbf16>
    %get3A_277 = arith.constant 0 : index
    %get3A_278 = arith.constant 0 : index
    %get3A_279 = vector.load %arg8[%get3A_277, %get3A_278] : memref<128x128xbf16, #tpu.memory_space<vmem>>, vector<128x128xbf16>
    %dot_general3A_280 = arith.constant dense<0.000000e+00> : vector<128x128xf32>
    %dot_general3A_281 = tpu.matmul %get3A_279, %convert_element_type3A_276, %dot_general3A_280 {dimension_numbers = #tpu.dot_dimension_numbers<[1], [0], [0], [1], [0, 0, 1, 1], [], []>, transpose_lhs_hint = false} : vector<128x128xbf16>, vector<128x128xbf16>, vector<128x128xf32> -> vector<128x128xf32>
    %swap3A_282 = arith.constant 0 : index
    %swap3A_283 = arith.constant 896 : index
    %swap3A_284 = vector.load %arg13[%swap3A_282, %swap3A_283] : memref<128x2048xf32, #tpu.memory_space<vmem>>, vector<128x128xf32>
    tpu.vector_store %arg13[%swap3A_282, %swap3A_283], %dot_general3A_281 {strides = array<i32>} : memref<128x2048xf32, #tpu.memory_space<vmem>>, vector<128x128xf32>,
    %get3A_285 = arith.constant 8 : index
    %get3A_286 = arith.constant 0 : index
    %get3A_287 = vector.load %arg3[%get3A_285, %get3A_286] : memref<16x128xi32, #tpu.memory_space<vmem>>, vector<1x128xi32>
    %broadcast_in_dim3A_288 = vector.shape_cast %get3A_287 : vector<1x128xi32> to vector<1x128xi32>
    %broadcast_in_dim3A_289 = vector.broadcast %broadcast_in_dim3A_288 : vector<1x128xi32> to vector<512x128xi32>
    %iota3A_290 = tpu.iota {dimensions = array<i32: 0>} : vector<512x128xi32>
    %eq3A_291 = arith.cmpi eq, %broadcast_in_dim3A_289, %iota3A_290 : vector<512x128xi32>
    %convert_element_type3A_292 = arith.extui %eq3A_291 : vector<512x128xi1> to vector<512x128xi32>
    %convert_element_type3A_293 = arith.sitofp %convert_element_type3A_292 : vector<512x128xi32> to vector<512x128xf32>
    %convert_element_type3A_294 = arith.truncf %convert_element_type3A_293 : vector<512x128xf32> to vector<512x128xbf16>
    %get3A_295 = arith.constant 0 : index
    %get3A_296 = arith.constant 0 : index
    %get3A_297 = vector.load %arg7[%get3A_295, %get3A_296] : memref<128x512xbf16, #tpu.memory_space<vmem>>, vector<128x512xbf16>
    %dot_general3A_298 = arith.constant dense<0.000000e+00> : vector<128x128xf32>
    %dot_general3A_299 = tpu.matmul %get3A_297, %convert_element_type3A_294, %dot_general3A_298 {dimension_numbers = #tpu.dot_dimension_numbers<[1], [0], [0], [1], [0, 0, 1, 1], [], []>, transpose_lhs_hint = false} : vector<128x512xbf16>, vector<512x128xbf16>, vector<128x128xf32> -> vector<128x128xf32>
    %swap3A_300 = arith.constant 0 : index
    %swap3A_301 = arith.constant 1024 : index
    %swap3A_302 = vector.load %arg12[%swap3A_300, %swap3A_301] : memref<128x2048xf32, #tpu.memory_space<vmem>>, vector<128x128xf32>
    tpu.vector_store %arg12[%swap3A_300, %swap3A_301], %dot_general3A_299 {strides = array<i32>} : memref<128x2048xf32, #tpu.memory_space<vmem>>, vector<128x128xf32>,
    %get3A_303 = arith.constant 8 : index
    %get3A_304 = arith.constant 0 : index
    %get3A_305 = vector.load %arg4[%get3A_303, %get3A_304] : memref<16x128xi32, #tpu.memory_space<vmem>>, vector<1x128xi32>
    %broadcast_in_dim3A_306 = vector.shape_cast %get3A_305 : vector<1x128xi32> to vector<1x128xi32>
    %broadcast_in_dim3A_307 = vector.broadcast %broadcast_in_dim3A_306 : vector<1x128xi32> to vector<128x128xi32>
    %iota3A_308 = tpu.iota {dimensions = array<i32: 0>} : vector<128x128xi32>
    %eq3A_309 = arith.cmpi eq, %broadcast_in_dim3A_307, %iota3A_308 : vector<128x128xi32>
    %convert_element_type3A_310 = arith.extui %eq3A_309 : vector<128x128xi1> to vector<128x128xi32>
    %convert_element_type3A_311 = arith.sitofp %convert_element_type3A_310 : vector<128x128xi32> to vector<128x128xf32>
    %convert_element_type3A_312 = arith.truncf %convert_element_type3A_311 : vector<128x128xf32> to vector<128x128xbf16>
    %get3A_313 = arith.constant 0 : index
    %get3A_314 = arith.constant 0 : index
    %get3A_315 = vector.load %arg8[%get3A_313, %get3A_314] : memref<128x128xbf16, #tpu.memory_space<vmem>>, vector<128x128xbf16>
    %dot_general3A_316 = arith.constant dense<0.000000e+00> : vector<128x128xf32>
    %dot_general3A_317 = tpu.matmul %get3A_315, %convert_element_type3A_312, %dot_general3A_316 {dimension_numbers = #tpu.dot_dimension_numbers<[1], [0], [0], [1], [0, 0, 1, 1], [], []>, transpose_lhs_hint = false} : vector<128x128xbf16>, vector<128x128xbf16>, vector<128x128xf32> -> vector<128x128xf32>
    %swap3A_318 = arith.constant 0 : index
    %swap3A_319 = arith.constant 1024 : index
    %swap3A_320 = vector.load %arg13[%swap3A_318, %swap3A_319] : memref<128x2048xf32, #tpu.memory_space<vmem>>, vector<128x128xf32>
    tpu.vector_store %arg13[%swap3A_318, %swap3A_319], %dot_general3A_317 {strides = array<i32>} : memref<128x2048xf32, #tpu.memory_space<vmem>>, vector<128x128xf32>,
    %get3A_321 = arith.constant 9 : index
    %get3A_322 = arith.constant 0 : index
    %get3A_323 = vector.load %arg3[%get3A_321, %get3A_322] : memref<16x128xi32, #tpu.memory_space<vmem>>, vector<1x128xi32>
    %broadcast_in_dim3A_324 = vector.shape_cast %get3A_323 : vector<1x128xi32> to vector<1x128xi32>
    %broadcast_in_dim3A_325 = vector.broadcast %broadcast_in_dim3A_324 : vector<1x128xi32> to vector<512x128xi32>
    %iota3A_326 = tpu.iota {dimensions = array<i32: 0>} : vector<512x128xi32>
    %eq3A_327 = arith.cmpi eq, %broadcast_in_dim3A_325, %iota3A_326 : vector<512x128xi32>
    %convert_element_type3A_328 = arith.extui %eq3A_327 : vector<512x128xi1> to vector<512x128xi32>
    %convert_element_type3A_329 = arith.sitofp %convert_element_type3A_328 : vector<512x128xi32> to vector<512x128xf32>
    %convert_element_type3A_330 = arith.truncf %convert_element_type3A_329 : vector<512x128xf32> to vector<512x128xbf16>
    %get3A_331 = arith.constant 0 : index
    %get3A_332 = arith.constant 0 : index
    %get3A_333 = vector.load %arg7[%get3A_331, %get3A_332] : memref<128x512xbf16, #tpu.memory_space<vmem>>, vector<128x512xbf16>
    %dot_general3A_334 = arith.constant dense<0.000000e+00> : vector<128x128xf32>
    %dot_general3A_335 = tpu.matmul %get3A_333, %convert_element_type3A_330, %dot_general3A_334 {dimension_numbers = #tpu.dot_dimension_numbers<[1], [0], [0], [1], [0, 0, 1, 1], [], []>, transpose_lhs_hint = false} : vector<128x512xbf16>, vector<512x128xbf16>, vector<128x128xf32> -> vector<128x128xf32>
    %swap3A_336 = arith.constant 0 : index
    %swap3A_337 = arith.constant 1152 : index
    %swap3A_338 = vector.load %arg12[%swap3A_336, %swap3A_337] : memref<128x2048xf32, #tpu.memory_space<vmem>>, vector<128x128xf32>
    tpu.vector_store %arg12[%swap3A_336, %swap3A_337], %dot_general3A_335 {strides = array<i32>} : memref<128x2048xf32, #tpu.memory_space<vmem>>, vector<128x128xf32>,
    %get3A_339 = arith.constant 9 : index
    %get3A_340 = arith.constant 0 : index
    %get3A_341 = vector.load %arg4[%get3A_339, %get3A_340] : memref<16x128xi32, #tpu.memory_space<vmem>>, vector<1x128xi32>
    %broadcast_in_dim3A_342 = vector.shape_cast %get3A_341 : vector<1x128xi32> to vector<1x128xi32>
    %broadcast_in_dim3A_343 = vector.broadcast %broadcast_in_dim3A_342 : vector<1x128xi32> to vector<128x128xi32>
    %iota3A_344 = tpu.iota {dimensions = array<i32: 0>} : vector<128x128xi32>
    %eq3A_345 = arith.cmpi eq, %broadcast_in_dim3A_343, %iota3A_344 : vector<128x128xi32>
    %convert_element_type3A_346 = arith.extui %eq3A_345 : vector<128x128xi1> to vector<128x128xi32>
    %convert_element_type3A_347 = arith.sitofp %convert_element_type3A_346 : vector<128x128xi32> to vector<128x128xf32>
    %convert_element_type3A_348 = arith.truncf %convert_element_type3A_347 : vector<128x128xf32> to vector<128x128xbf16>
    %get3A_349 = arith.constant 0 : index
    %get3A_350 = arith.constant 0 : index
    %get3A_351 = vector.load %arg8[%get3A_349, %get3A_350] : memref<128x128xbf16, #tpu.memory_space<vmem>>, vector<128x128xbf16>
    %dot_general3A_352 = arith.constant dense<0.000000e+00> : vector<128x128xf32>
    %dot_general3A_353 = tpu.matmul %get3A_351, %convert_element_type3A_348, %dot_general3A_352 {dimension_numbers = #tpu.dot_dimension_numbers<[1], [0], [0], [1], [0, 0, 1, 1], [], []>, transpose_lhs_hint = false} : vector<128x128xbf16>, vector<128x128xbf16>, vector<128x128xf32> -> vector<128x128xf32>
    %swap3A_354 = arith.constant 0 : index
    %swap3A_355 = arith.constant 1152 : index
    %swap3A_356 = vector.load %arg13[%swap3A_354, %swap3A_355] : memref<128x2048xf32, #tpu.memory_space<vmem>>, vector<128x128xf32>
    tpu.vector_store %arg13[%swap3A_354, %swap3A_355], %dot_general3A_353 {strides = array<i32>} : memref<128x2048xf32, #tpu.memory_space<vmem>>, vector<128x128xf32>,
    %get3A_357 = arith.constant 10 : index
    %get3A_358 = arith.constant 0 : index
    %get3A_359 = vector.load %arg3[%get3A_357, %get3A_358] : memref<16x128xi32, #tpu.memory_space<vmem>>, vector<1x128xi32>
    %broadcast_in_dim3A_360 = vector.shape_cast %get3A_359 : vector<1x128xi32> to vector<1x128xi32>
    %broadcast_in_dim3A_361 = vector.broadcast %broadcast_in_dim3A_360 : vector<1x128xi32> to vector<512x128xi32>
    %iota3A_362 = tpu.iota {dimensions = array<i32: 0>} : vector<512x128xi32>
    %eq3A_363 = arith.cmpi eq, %broadcast_in_dim3A_361, %iota3A_362 : vector<512x128xi32>
    %convert_element_type3A_364 = arith.extui %eq3A_363 : vector<512x128xi1> to vector<512x128xi32>
    %convert_element_type3A_365 = arith.sitofp %convert_element_type3A_364 : vector<512x128xi32> to vector<512x128xf32>
    %convert_element_type3A_366 = arith.truncf %convert_element_type3A_365 : vector<512x128xf32> to vector<512x128xbf16>
    %get3A_367 = arith.constant 0 : index
    %get3A_368 = arith.constant 0 : index
    %get3A_369 = vector.load %arg7[%get3A_367, %get3A_368] : memref<128x512xbf16, #tpu.memory_space<vmem>>, vector<128x512xbf16>
    %dot_general3A_370 = arith.constant dense<0.000000e+00> : vector<128x128xf32>
    %dot_general3A_371 = tpu.matmul %get3A_369, %convert_element_type3A_366, %dot_general3A_370 {dimension_numbers = #tpu.dot_dimension_numbers<[1], [0], [0], [1], [0, 0, 1, 1], [], []>, transpose_lhs_hint = false} : vector<128x512xbf16>, vector<512x128xbf16>, vector<128x128xf32> -> vector<128x128xf32>
    %swap3A_372 = arith.constant 0 : index
    %swap3A_373 = arith.constant 1280 : index
    %swap3A_374 = vector.load %arg12[%swap3A_372, %swap3A_373] : memref<128x2048xf32, #tpu.memory_space<vmem>>, vector<128x128xf32>
    tpu.vector_store %arg12[%swap3A_372, %swap3A_373], %dot_general3A_371 {strides = array<i32>} : memref<128x2048xf32, #tpu.memory_space<vmem>>, vector<128x128xf32>,
    %get3A_375 = arith.constant 10 : index
    %get3A_376 = arith.constant 0 : index
    %get3A_377 = vector.load %arg4[%get3A_375, %get3A_376] : memref<16x128xi32, #tpu.memory_space<vmem>>, vector<1x128xi32>
    %broadcast_in_dim3A_378 = vector.shape_cast %get3A_377 : vector<1x128xi32> to vector<1x128xi32>
    %broadcast_in_dim3A_379 = vector.broadcast %broadcast_in_dim3A_378 : vector<1x128xi32> to vector<128x128xi32>
    %iota3A_380 = tpu.iota {dimensions = array<i32: 0>} : vector<128x128xi32>
    %eq3A_381 = arith.cmpi eq, %broadcast_in_dim3A_379, %iota3A_380 : vector<128x128xi32>
    %convert_element_type3A_382 = arith.extui %eq3A_381 : vector<128x128xi1> to vector<128x128xi32>
    %convert_element_type3A_383 = arith.sitofp %convert_element_type3A_382 : vector<128x128xi32> to vector<128x128xf32>
    %convert_element_type3A_384 = arith.truncf %convert_element_type3A_383 : vector<128x128xf32> to vector<128x128xbf16>
    %get3A_385 = arith.constant 0 : index
    %get3A_386 = arith.constant 0 : index
    %get3A_387 = vector.load %arg8[%get3A_385, %get3A_386] : memref<128x128xbf16, #tpu.memory_space<vmem>>, vector<128x128xbf16>
    %dot_general3A_388 = arith.constant dense<0.000000e+00> : vector<128x128xf32>
    %dot_general3A_389 = tpu.matmul %get3A_387, %convert_element_type3A_384, %dot_general3A_388 {dimension_numbers = #tpu.dot_dimension_numbers<[1], [0], [0], [1], [0, 0, 1, 1], [], []>, transpose_lhs_hint = false} : vector<128x128xbf16>, vector<128x128xbf16>, vector<128x128xf32> -> vector<128x128xf32>
    %swap3A_390 = arith.constant 0 : index
    %swap3A_391 = arith.constant 1280 : index
    %swap3A_392 = vector.load %arg13[%swap3A_390, %swap3A_391] : memref<128x2048xf32, #tpu.memory_space<vmem>>, vector<128x128xf32>
    tpu.vector_store %arg13[%swap3A_390, %swap3A_391], %dot_general3A_389 {strides = array<i32>} : memref<128x2048xf32, #tpu.memory_space<vmem>>, vector<128x128xf32>,
    %get3A_393 = arith.constant 11 : index
    %get3A_394 = arith.constant 0 : index
    %get3A_395 = vector.load %arg3[%get3A_393, %get3A_394] : memref<16x128xi32, #tpu.memory_space<vmem>>, vector<1x128xi32>
    %broadcast_in_dim3A_396 = vector.shape_cast %get3A_395 : vector<1x128xi32> to vector<1x128xi32>
    %broadcast_in_dim3A_397 = vector.broadcast %broadcast_in_dim3A_396 : vector<1x128xi32> to vector<512x128xi32>
    %iota3A_398 = tpu.iota {dimensions = array<i32: 0>} : vector<512x128xi32>
    %eq3A_399 = arith.cmpi eq, %broadcast_in_dim3A_397, %iota3A_398 : vector<512x128xi32>
    %convert_element_type3A_400 = arith.extui %eq3A_399 : vector<512x128xi1> to vector<512x128xi32>
    %convert_element_type3A_401 = arith.sitofp %convert_element_type3A_400 : vector<512x128xi32> to vector<512x128xf32>
    %convert_element_type3A_402 = arith.truncf %convert_element_type3A_401 : vector<512x128xf32> to vector<512x128xbf16>
    %get3A_403 = arith.constant 0 : index
    %get3A_404 = arith.constant 0 : index
    %get3A_405 = vector.load %arg7[%get3A_403, %get3A_404] : memref<128x512xbf16, #tpu.memory_space<vmem>>, vector<128x512xbf16>
    %dot_general3A_406 = arith.constant dense<0.000000e+00> : vector<128x128xf32>
    %dot_general3A_407 = tpu.matmul %get3A_405, %convert_element_type3A_402, %dot_general3A_406 {dimension_numbers = #tpu.dot_dimension_numbers<[1], [0], [0], [1], [0, 0, 1, 1], [], []>, transpose_lhs_hint = false} : vector<128x512xbf16>, vector<512x128xbf16>, vector<128x128xf32> -> vector<128x128xf32>
    %swap3A_408 = arith.constant 0 : index
    %swap3A_409 = arith.constant 1408 : index
    %swap3A_410 = vector.load %arg12[%swap3A_408, %swap3A_409] : memref<128x2048xf32, #tpu.memory_space<vmem>>, vector<128x128xf32>
    tpu.vector_store %arg12[%swap3A_408, %swap3A_409], %dot_general3A_407 {strides = array<i32>} : memref<128x2048xf32, #tpu.memory_space<vmem>>, vector<128x128xf32>,
    %get3A_411 = arith.constant 11 : index
    %get3A_412 = arith.constant 0 : index
    %get3A_413 = vector.load %arg4[%get3A_411, %get3A_412] : memref<16x128xi32, #tpu.memory_space<vmem>>, vector<1x128xi32>
    %broadcast_in_dim3A_414 = vector.shape_cast %get3A_413 : vector<1x128xi32> to vector<1x128xi32>
    %broadcast_in_dim3A_415 = vector.broadcast %broadcast_in_dim3A_414 : vector<1x128xi32> to vector<128x128xi32>
    %iota3A_416 = tpu.iota {dimensions = array<i32: 0>} : vector<128x128xi32>
    %eq3A_417 = arith.cmpi eq, %broadcast_in_dim3A_415, %iota3A_416 : vector<128x128xi32>
    %convert_element_type3A_418 = arith.extui %eq3A_417 : vector<128x128xi1> to vector<128x128xi32>
    %convert_element_type3A_419 = arith.sitofp %convert_element_type3A_418 : vector<128x128xi32> to vector<128x128xf32>
    %convert_element_type3A_420 = arith.truncf %convert_element_type3A_419 : vector<128x128xf32> to vector<128x128xbf16>
    %get3A_421 = arith.constant 0 : index
    %get3A_422 = arith.constant 0 : index
    %get3A_423 = vector.load %arg8[%get3A_421, %get3A_422] : memref<128x128xbf16, #tpu.memory_space<vmem>>, vector<128x128xbf16>
    %dot_general3A_424 = arith.constant dense<0.000000e+00> : vector<128x128xf32>
    %dot_general3A_425 = tpu.matmul %get3A_423, %convert_element_type3A_420, %dot_general3A_424 {dimension_numbers = #tpu.dot_dimension_numbers<[1], [0], [0], [1], [0, 0, 1, 1], [], []>, transpose_lhs_hint = false} : vector<128x128xbf16>, vector<128x128xbf16>, vector<128x128xf32> -> vector<128x128xf32>
    %swap3A_426 = arith.constant 0 : index
    %swap3A_427 = arith.constant 1408 : index
    %swap3A_428 = vector.load %arg13[%swap3A_426, %swap3A_427] : memref<128x2048xf32, #tpu.memory_space<vmem>>, vector<128x128xf32>
    tpu.vector_store %arg13[%swap3A_426, %swap3A_427], %dot_general3A_425 {strides = array<i32>} : memref<128x2048xf32, #tpu.memory_space<vmem>>, vector<128x128xf32>,
    %get3A_429 = arith.constant 12 : index
    %get3A_430 = arith.constant 0 : index
    %get3A_431 = vector.load %arg3[%get3A_429, %get3A_430] : memref<16x128xi32, #tpu.memory_space<vmem>>, vector<1x128xi32>
    %broadcast_in_dim3A_432 = vector.shape_cast %get3A_431 : vector<1x128xi32> to vector<1x128xi32>
    %broadcast_in_dim3A_433 = vector.broadcast %broadcast_in_dim3A_432 : vector<1x128xi32> to vector<512x128xi32>
    %iota3A_434 = tpu.iota {dimensions = array<i32: 0>} : vector<512x128xi32>
    %eq3A_435 = arith.cmpi eq, %broadcast_in_dim3A_433, %iota3A_434 : vector<512x128xi32>
    %convert_element_type3A_436 = arith.extui %eq3A_435 : vector<512x128xi1> to vector<512x128xi32>
    %convert_element_type3A_437 = arith.sitofp %convert_element_type3A_436 : vector<512x128xi32> to vector<512x128xf32>
    %convert_element_type3A_438 = arith.truncf %convert_element_type3A_437 : vector<512x128xf32> to vector<512x128xbf16>
    %get3A_439 = arith.constant 0 : index
    %get3A_440 = arith.constant 0 : index
    %get3A_441 = vector.load %arg7[%get3A_439, %get3A_440] : memref<128x512xbf16, #tpu.memory_space<vmem>>, vector<128x512xbf16>
    %dot_general3A_442 = arith.constant dense<0.000000e+00> : vector<128x128xf32>
    %dot_general3A_443 = tpu.matmul %get3A_441, %convert_element_type3A_438, %dot_general3A_442 {dimension_numbers = #tpu.dot_dimension_numbers<[1], [0], [0], [1], [0, 0, 1, 1], [], []>, transpose_lhs_hint = false} : vector<128x512xbf16>, vector<512x128xbf16>, vector<128x128xf32> -> vector<128x128xf32>
    %swap3A_444 = arith.constant 0 : index
    %swap3A_445 = arith.constant 1536 : index
    %swap3A_446 = vector.load %arg12[%swap3A_444, %swap3A_445] : memref<128x2048xf32, #tpu.memory_space<vmem>>, vector<128x128xf32>
    tpu.vector_store %arg12[%swap3A_444, %swap3A_445], %dot_general3A_443 {strides = array<i32>} : memref<128x2048xf32, #tpu.memory_space<vmem>>, vector<128x128xf32>,
    %get3A_447 = arith.constant 12 : index
    %get3A_448 = arith.constant 0 : index
    %get3A_449 = vector.load %arg4[%get3A_447, %get3A_448] : memref<16x128xi32, #tpu.memory_space<vmem>>, vector<1x128xi32>
    %broadcast_in_dim3A_450 = vector.shape_cast %get3A_449 : vector<1x128xi32> to vector<1x128xi32>
    %broadcast_in_dim3A_451 = vector.broadcast %broadcast_in_dim3A_450 : vector<1x128xi32> to vector<128x128xi32>
    %iota3A_452 = tpu.iota {dimensions = array<i32: 0>} : vector<128x128xi32>
    %eq3A_453 = arith.cmpi eq, %broadcast_in_dim3A_451, %iota3A_452 : vector<128x128xi32>
    %convert_element_type3A_454 = arith.extui %eq3A_453 : vector<128x128xi1> to vector<128x128xi32>
    %convert_element_type3A_455 = arith.sitofp %convert_element_type3A_454 : vector<128x128xi32> to vector<128x128xf32>
    %convert_element_type3A_456 = arith.truncf %convert_element_type3A_455 : vector<128x128xf32> to vector<128x128xbf16>
    %get3A_457 = arith.constant 0 : index
    %get3A_458 = arith.constant 0 : index
    %get3A_459 = vector.load %arg8[%get3A_457, %get3A_458] : memref<128x128xbf16, #tpu.memory_space<vmem>>, vector<128x128xbf16>
    %dot_general3A_460 = arith.constant dense<0.000000e+00> : vector<128x128xf32>
    %dot_general3A_461 = tpu.matmul %get3A_459, %convert_element_type3A_456, %dot_general3A_460 {dimension_numbers = #tpu.dot_dimension_numbers<[1], [0], [0], [1], [0, 0, 1, 1], [], []>, transpose_lhs_hint = false} : vector<128x128xbf16>, vector<128x128xbf16>, vector<128x128xf32> -> vector<128x128xf32>
    %swap3A_462 = arith.constant 0 : index
    %swap3A_463 = arith.constant 1536 : index
    %swap3A_464 = vector.load %arg13[%swap3A_462, %swap3A_463] : memref<128x2048xf32, #tpu.memory_space<vmem>>, vector<128x128xf32>
    tpu.vector_store %arg13[%swap3A_462, %swap3A_463], %dot_general3A_461 {strides = array<i32>} : memref<128x2048xf32, #tpu.memory_space<vmem>>, vector<128x128xf32>,
    %get3A_465 = arith.constant 13 : index
    %get3A_466 = arith.constant 0 : index
    %get3A_467 = vector.load %arg3[%get3A_465, %get3A_466] : memref<16x128xi32, #tpu.memory_space<vmem>>, vector<1x128xi32>
    %broadcast_in_dim3A_468 = vector.shape_cast %get3A_467 : vector<1x128xi32> to vector<1x128xi32>
    %broadcast_in_dim3A_469 = vector.broadcast %broadcast_in_dim3A_468 : vector<1x128xi32> to vector<512x128xi32>
    %iota3A_470 = tpu.iota {dimensions = array<i32: 0>} : vector<512x128xi32>
    %eq3A_471 = arith.cmpi eq, %broadcast_in_dim3A_469, %iota3A_470 : vector<512x128xi32>
    %convert_element_type3A_472 = arith.extui %eq3A_471 : vector<512x128xi1> to vector<512x128xi32>
    %convert_element_type3A_473 = arith.sitofp %convert_element_type3A_472 : vector<512x128xi32> to vector<512x128xf32>
    %convert_element_type3A_474 = arith.truncf %convert_element_type3A_473 : vector<512x128xf32> to vector<512x128xbf16>
    %get3A_475 = arith.constant 0 : index
    %get3A_476 = arith.constant 0 : index
    %get3A_477 = vector.load %arg7[%get3A_475, %get3A_476] : memref<128x512xbf16, #tpu.memory_space<vmem>>, vector<128x512xbf16>
    %dot_general3A_478 = arith.constant dense<0.000000e+00> : vector<128x128xf32>
    %dot_general3A_479 = tpu.matmul %get3A_477, %convert_element_type3A_474, %dot_general3A_478 {dimension_numbers = #tpu.dot_dimension_numbers<[1], [0], [0], [1], [0, 0, 1, 1], [], []>, transpose_lhs_hint = false} : vector<128x512xbf16>, vector<512x128xbf16>, vector<128x128xf32> -> vector<128x128xf32>
    %swap3A_480 = arith.constant 0 : index
    %swap3A_481 = arith.constant 1664 : index
    %swap3A_482 = vector.load %arg12[%swap3A_480, %swap3A_481] : memref<128x2048xf32, #tpu.memory_space<vmem>>, vector<128x128xf32>
    tpu.vector_store %arg12[%swap3A_480, %swap3A_481], %dot_general3A_479 {strides = array<i32>} : memref<128x2048xf32, #tpu.memory_space<vmem>>, vector<128x128xf32>,
    %get3A_483 = arith.constant 13 : index
    %get3A_484 = arith.constant 0 : index
    %get3A_485 = vector.load %arg4[%get3A_483, %get3A_484] : memref<16x128xi32, #tpu.memory_space<vmem>>, vector<1x128xi32>
    %broadcast_in_dim3A_486 = vector.shape_cast %get3A_485 : vector<1x128xi32> to vector<1x128xi32>
    %broadcast_in_dim3A_487 = vector.broadcast %broadcast_in_dim3A_486 : vector<1x128xi32> to vector<128x128xi32>
    %iota3A_488 = tpu.iota {dimensions = array<i32: 0>} : vector<128x128xi32>
    %eq3A_489 = arith.cmpi eq, %broadcast_in_dim3A_487, %iota3A_488 : vector<128x128xi32>
    %convert_element_type3A_490 = arith.extui %eq3A_489 : vector<128x128xi1> to vector<128x128xi32>
    %convert_element_type3A_491 = arith.sitofp %convert_element_type3A_490 : vector<128x128xi32> to vector<128x128xf32>
    %convert_element_type3A_492 = arith.truncf %convert_element_type3A_491 : vector<128x128xf32> to vector<128x128xbf16>
    %get3A_493 = arith.constant 0 : index
    %get3A_494 = arith.constant 0 : index
    %get3A_495 = vector.load %arg8[%get3A_493, %get3A_494] : memref<128x128xbf16, #tpu.memory_space<vmem>>, vector<128x128xbf16>
    %dot_general3A_496 = arith.constant dense<0.000000e+00> : vector<128x128xf32>
    %dot_general3A_497 = tpu.matmul %get3A_495, %convert_element_type3A_492, %dot_general3A_496 {dimension_numbers = #tpu.dot_dimension_numbers<[1], [0], [0], [1], [0, 0, 1, 1], [], []>, transpose_lhs_hint = false} : vector<128x128xbf16>, vector<128x128xbf16>, vector<128x128xf32> -> vector<128x128xf32>
    %swap3A_498 = arith.constant 0 : index
    %swap3A_499 = arith.constant 1664 : index
    %swap3A_500 = vector.load %arg13[%swap3A_498, %swap3A_499] : memref<128x2048xf32, #tpu.memory_space<vmem>>, vector<128x128xf32>
    tpu.vector_store %arg13[%swap3A_498, %swap3A_499], %dot_general3A_497 {strides = array<i32>} : memref<128x2048xf32, #tpu.memory_space<vmem>>, vector<128x128xf32>,
    %get3A_501 = arith.constant 14 : index
    %get3A_502 = arith.constant 0 : index
    %get3A_503 = vector.load %arg3[%get3A_501, %get3A_502] : memref<16x128xi32, #tpu.memory_space<vmem>>, vector<1x128xi32>
    %broadcast_in_dim3A_504 = vector.shape_cast %get3A_503 : vector<1x128xi32> to vector<1x128xi32>
    %broadcast_in_dim3A_505 = vector.broadcast %broadcast_in_dim3A_504 : vector<1x128xi32> to vector<512x128xi32>
    %iota3A_506 = tpu.iota {dimensions = array<i32: 0>} : vector<512x128xi32>
    %eq3A_507 = arith.cmpi eq, %broadcast_in_dim3A_505, %iota3A_506 : vector<512x128xi32>
    %convert_element_type3A_508 = arith.extui %eq3A_507 : vector<512x128xi1> to vector<512x128xi32>
    %convert_element_type3A_509 = arith.sitofp %convert_element_type3A_508 : vector<512x128xi32> to vector<512x128xf32>
    %convert_element_type3A_510 = arith.truncf %convert_element_type3A_509 : vector<512x128xf32> to vector<512x128xbf16>
    %get3A_511 = arith.constant 0 : index
    %get3A_512 = arith.constant 0 : index
    %get3A_513 = vector.load %arg7[%get3A_511, %get3A_512] : memref<128x512xbf16, #tpu.memory_space<vmem>>, vector<128x512xbf16>
    %dot_general3A_514 = arith.constant dense<0.000000e+00> : vector<128x128xf32>
    %dot_general3A_515 = tpu.matmul %get3A_513, %convert_element_type3A_510, %dot_general3A_514 {dimension_numbers = #tpu.dot_dimension_numbers<[1], [0], [0], [1], [0, 0, 1, 1], [], []>, transpose_lhs_hint = false} : vector<128x512xbf16>, vector<512x128xbf16>, vector<128x128xf32> -> vector<128x128xf32>
    %swap3A_516 = arith.constant 0 : index
    %swap3A_517 = arith.constant 1792 : index
    %swap3A_518 = vector.load %arg12[%swap3A_516, %swap3A_517] : memref<128x2048xf32, #tpu.memory_space<vmem>>, vector<128x128xf32>
    tpu.vector_store %arg12[%swap3A_516, %swap3A_517], %dot_general3A_515 {strides = array<i32>} : memref<128x2048xf32, #tpu.memory_space<vmem>>, vector<128x128xf32>,
    %get3A_519 = arith.constant 14 : index
    %get3A_520 = arith.constant 0 : index
    %get3A_521 = vector.load %arg4[%get3A_519, %get3A_520] : memref<16x128xi32, #tpu.memory_space<vmem>>, vector<1x128xi32>
    %broadcast_in_dim3A_522 = vector.shape_cast %get3A_521 : vector<1x128xi32> to vector<1x128xi32>
    %broadcast_in_dim3A_523 = vector.broadcast %broadcast_in_dim3A_522 : vector<1x128xi32> to vector<128x128xi32>
    %iota3A_524 = tpu.iota {dimensions = array<i32: 0>} : vector<128x128xi32>
    %eq3A_525 = arith.cmpi eq, %broadcast_in_dim3A_523, %iota3A_524 : vector<128x128xi32>
    %convert_element_type3A_526 = arith.extui %eq3A_525 : vector<128x128xi1> to vector<128x128xi32>
    %convert_element_type3A_527 = arith.sitofp %convert_element_type3A_526 : vector<128x128xi32> to vector<128x128xf32>
    %convert_element_type3A_528 = arith.truncf %convert_element_type3A_527 : vector<128x128xf32> to vector<128x128xbf16>
    %get3A_529 = arith.constant 0 : index
    %get3A_530 = arith.constant 0 : index
    %get3A_531 = vector.load %arg8[%get3A_529, %get3A_530] : memref<128x128xbf16, #tpu.memory_space<vmem>>, vector<128x128xbf16>
    %dot_general3A_532 = arith.constant dense<0.000000e+00> : vector<128x128xf32>
    %dot_general3A_533 = tpu.matmul %get3A_531, %convert_element_type3A_528, %dot_general3A_532 {dimension_numbers = #tpu.dot_dimension_numbers<[1], [0], [0], [1], [0, 0, 1, 1], [], []>, transpose_lhs_hint = false} : vector<128x128xbf16>, vector<128x128xbf16>, vector<128x128xf32> -> vector<128x128xf32>
    %swap3A_534 = arith.constant 0 : index
    %swap3A_535 = arith.constant 1792 : index
    %swap3A_536 = vector.load %arg13[%swap3A_534, %swap3A_535] : memref<128x2048xf32, #tpu.memory_space<vmem>>, vector<128x128xf32>
    tpu.vector_store %arg13[%swap3A_534, %swap3A_535], %dot_general3A_533 {strides = array<i32>} : memref<128x2048xf32, #tpu.memory_space<vmem>>, vector<128x128xf32>,
    %get3A_537 = arith.constant 15 : index
    %get3A_538 = arith.constant 0 : index
    %get3A_539 = vector.load %arg3[%get3A_537, %get3A_538] : memref<16x128xi32, #tpu.memory_space<vmem>>, vector<1x128xi32>
    %broadcast_in_dim3A_540 = vector.shape_cast %get3A_539 : vector<1x128xi32> to vector<1x128xi32>
    %broadcast_in_dim3A_541 = vector.broadcast %broadcast_in_dim3A_540 : vector<1x128xi32> to vector<512x128xi32>
    %iota3A_542 = tpu.iota {dimensions = array<i32: 0>} : vector<512x128xi32>
    %eq3A_543 = arith.cmpi eq, %broadcast_in_dim3A_541, %iota3A_542 : vector<512x128xi32>
    %convert_element_type3A_544 = arith.extui %eq3A_543 : vector<512x128xi1> to vector<512x128xi32>
    %convert_element_type3A_545 = arith.sitofp %convert_element_type3A_544 : vector<512x128xi32> to vector<512x128xf32>
    %convert_element_type3A_546 = arith.truncf %convert_element_type3A_545 : vector<512x128xf32> to vector<512x128xbf16>
    %get3A_547 = arith.constant 0 : index
    %get3A_548 = arith.constant 0 : index
    %get3A_549 = vector.load %arg7[%get3A_547, %get3A_548] : memref<128x512xbf16, #tpu.memory_space<vmem>>, vector<128x512xbf16>
    %dot_general3A_550 = arith.constant dense<0.000000e+00> : vector<128x128xf32>
    %dot_general3A_551 = tpu.matmul %get3A_549, %convert_element_type3A_546, %dot_general3A_550 {dimension_numbers = #tpu.dot_dimension_numbers<[1], [0], [0], [1], [0, 0, 1, 1], [], []>, transpose_lhs_hint = false} : vector<128x512xbf16>, vector<512x128xbf16>, vector<128x128xf32> -> vector<128x128xf32>
    %swap3A_552 = arith.constant 0 : index
    %swap3A_553 = arith.constant 1920 : index
    %swap3A_554 = vector.load %arg12[%swap3A_552, %swap3A_553] : memref<128x2048xf32, #tpu.memory_space<vmem>>, vector<128x128xf32>
    tpu.vector_store %arg12[%swap3A_552, %swap3A_553], %dot_general3A_551 {strides = array<i32>} : memref<128x2048xf32, #tpu.memory_space<vmem>>, vector<128x128xf32>,
    %get3A_555 = arith.constant 15 : index
    %get3A_556 = arith.constant 0 : index
    %get3A_557 = vector.load %arg4[%get3A_555, %get3A_556] : memref<16x128xi32, #tpu.memory_space<vmem>>, vector<1x128xi32>
    %broadcast_in_dim3A_558 = vector.shape_cast %get3A_557 : vector<1x128xi32> to vector<1x128xi32>
    %broadcast_in_dim3A_559 = vector.broadcast %broadcast_in_dim3A_558 : vector<1x128xi32> to vector<128x128xi32>
    %iota3A_560 = tpu.iota {dimensions = array<i32: 0>} : vector<128x128xi32>
    %eq3A_561 = arith.cmpi eq, %broadcast_in_dim3A_559, %iota3A_560 : vector<128x128xi32>
    %convert_element_type3A_562 = arith.extui %eq3A_561 : vector<128x128xi1> to vector<128x128xi32>
    %convert_element_type3A_563 = arith.sitofp %convert_element_type3A_562 : vector<128x128xi32> to vector<128x128xf32>
    %convert_element_type3A_564 = arith.truncf %convert_element_type3A_563 : vector<128x128xf32> to vector<128x128xbf16>
    %get3A_565 = arith.constant 0 : index
    %get3A_566 = arith.constant 0 : index
    %get3A_567 = vector.load %arg8[%get3A_565, %get3A_566] : memref<128x128xbf16, #tpu.memory_space<vmem>>, vector<128x128xbf16>
    %dot_general3A_568 = arith.constant dense<0.000000e+00> : vector<128x128xf32>
    %dot_general3A_569 = tpu.matmul %get3A_567, %convert_element_type3A_564, %dot_general3A_568 {dimension_numbers = #tpu.dot_dimension_numbers<[1], [0], [0], [1], [0, 0, 1, 1], [], []>, transpose_lhs_hint = false} : vector<128x128xbf16>, vector<128x128xbf16>, vector<128x128xf32> -> vector<128x128xf32>
    %swap3A_570 = arith.constant 0 : index
    %swap3A_571 = arith.constant 1920 : index
    %swap3A_572 = vector.load %arg13[%swap3A_570, %swap3A_571] : memref<128x2048xf32, #tpu.memory_space<vmem>>, vector<128x128xf32>
    tpu.vector_store %arg13[%swap3A_570, %swap3A_571], %dot_general3A_569 {strides = array<i32>} : memref<128x2048xf32, #tpu.memory_space<vmem>>, vector<128x128xf32>,
    %get3A_573 = arith.constant 0 : index
    %get3A_574 = arith.constant 0 : index
    %get3A_575 = vector.load %arg2[%get3A_573, %get3A_574] : memref<2048x128xf32, #tpu.memory_space<vmem>>, vector<2048x128xf32>
    %get3A_576 = arith.constant 0 : index
    %get3A_577 = arith.constant 0 : index
    %get3A_578 = vector.load %arg9[%get3A_576, %get3A_577] : memref<512x256xf32, #tpu.memory_space<vmem>>, vector<128x256xf32>
    %dot_general3A_579 = arith.constant dense<0.000000e+00> : vector<2048x256xf32>
    %dot_general3A_580 = tpu.matmul %get3A_575, %get3A_578, %dot_general3A_579 {dimension_numbers = #tpu.dot_dimension_numbers<[1], [0], [0], [1], [0, 0, 1, 1], [], []>, transpose_lhs_hint = false} : vector<2048x128xf32>, vector<128x256xf32>, vector<2048x256xf32> -> vector<2048x256xf32>
    %get3A_581 = arith.constant 0 : index
    %get3A_582 = arith.constant 0 : index
    %get3A_583 = vector.load %arg1[%get3A_581, %get3A_582] : memref<2048x128xf32, #tpu.memory_space<vmem>>, vector<2048x128xf32>
    %get3A_584 = arith.constant 0 : index
    %get3A_585 = arith.constant 0 : index
    %get3A_586 = vector.load %arg14[%get3A_584, %get3A_585] : memref<128x256xf32, #tpu.memory_space<vmem>>, vector<128x256xf32>
    %dot_general3A_587 = arith.constant dense<0.000000e+00> : vector<2048x256xf32>
    %dot_general3A_588 = tpu.matmul %get3A_583, %get3A_586, %dot_general3A_587 {dimension_numbers = #tpu.dot_dimension_numbers<[1], [0], [0], [1], [0, 0, 1, 1], [], []>, transpose_lhs_hint = false} : vector<2048x128xf32>, vector<128x256xf32>, vector<2048x256xf32> -> vector<2048x256xf32>
    %add3A = arith.addf %dot_general3A_580, %dot_general3A_588 : vector<2048x256xf32>
    %get3A_589 = arith.constant 0 : index
    %get3A_590 = arith.constant 0 : index
    %get3A_591 = vector.load %arg12[%get3A_589, %get3A_590] : memref<128x2048xf32, #tpu.memory_space<vmem>>, vector<128x2048xf32>
    %get3A_592 = arith.constant 256 : index
    %get3A_593 = arith.constant 0 : index
    %get3A_594 = vector.load %arg9[%get3A_592, %get3A_593] : memref<512x256xf32, #tpu.memory_space<vmem>>, vector<128x256xf32>
    %dot_general3A_595 = arith.constant dense<0.000000e+00> : vector<2048x256xf32>
    %dot_general3A_596 = tpu.matmul %get3A_591, %get3A_594, %dot_general3A_595 {dimension_numbers = #tpu.dot_dimension_numbers<[0], [0], [1], [1], [0, 1, 1, 1], [], []>, transpose_lhs_hint = false} : vector<128x2048xf32>, vector<128x256xf32>, vector<2048x256xf32> -> vector<2048x256xf32>
    %add3A_597 = arith.addf %add3A, %dot_general3A_596 : vector<2048x256xf32>
    %get3A_598 = arith.constant 0 : index
    %get3A_599 = arith.constant 0 : index
    %get3A_600 = vector.load %arg13[%get3A_598, %get3A_599] : memref<128x2048xf32, #tpu.memory_space<vmem>>, vector<128x2048xf32>
    %get3A_601 = arith.constant 384 : index
    %get3A_602 = arith.constant 0 : index
    %get3A_603 = vector.load %arg9[%get3A_601, %get3A_602] : memref<512x256xf32, #tpu.memory_space<vmem>>, vector<128x256xf32>
    %dot_general3A_604 = arith.constant dense<0.000000e+00> : vector<2048x256xf32>
    %dot_general3A_605 = tpu.matmul %get3A_600, %get3A_603, %dot_general3A_604 {dimension_numbers = #tpu.dot_dimension_numbers<[0], [0], [1], [1], [0, 1, 1, 1], [], []>, transpose_lhs_hint = false} : vector<128x2048xf32>, vector<128x256xf32>, vector<2048x256xf32> -> vector<2048x256xf32>
    %add3A_606 = arith.addf %add3A_597, %dot_general3A_605 : vector<2048x256xf32>
    %get3A_607 = arith.constant 0 : index
    %get3A_608 = arith.constant 0 : index
    %get3A_609 = vector.load %arg15[%get3A_607, %get3A_608] : memref<1x256xf32, #tpu.memory_space<vmem>>, vector<1x256xf32>
    %add3A_610 = vector.broadcast %get3A_609 : vector<1x256xf32> to vector<2048x256xf32>
    %add3A_611 = arith.addf %add3A_606, %add3A_610 : vector<2048x256xf32>
    %swap3A_612 = arith.constant 0 : index
    %swap3A_613 = arith.constant 0 : index
    %swap3A_614 = vector.load %arg11[%swap3A_612, %swap3A_613] : memref<2048x256xf32, #tpu.memory_space<vmem>>, vector<2048x256xf32>
    tpu.vector_store %arg11[%swap3A_612, %swap3A_613], %add3A_611 {strides = array<i32>} : memref<2048x256xf32, #tpu.memory_space<vmem>>, vector<2048x256xf32>,
    return
  }
  func.func @transform_0(%arg0: i32) -> (i32, i32) {
    %c0_i32 = arith.constant 0 : i32
    %c0_i32_0 = arith.constant 0 : i32
    return %arg0, %c0_i32 : i32, i32
  }
  func.func @transform_1(%arg0: i32) -> (i32, i32) {
    %c0_i32 = arith.constant 0 : i32
    %c0_i32_0 = arith.constant 0 : i32
    return %arg0, %c0_i32 : i32, i32
  }
  func.func @transform_2(%arg0: i32) -> (i32, i32) {
    %c0_i32 = arith.constant 0 : i32
    %c0_i32_0 = arith.constant 0 : i32
    return %arg0, %c0_i32 : i32, i32
  }
  func.func @transform_3(%arg0: i32) -> (i32, i32) {
    %c0_i32 = arith.constant 0 : i32
    %c0_i32_0 = arith.constant 0 : i32
    return %arg0, %c0_i32 : i32, i32
  }
  func.func @transform_4(%arg0: i32) -> (i32, i32) {
    %c0_i32 = arith.constant 0 : i32
    %c0_i32_0 = arith.constant 0 : i32
    %c0_i32_1 = arith.constant 0 : i32
    return %c0_i32, %c0_i32_0 : i32, i32
  }
  func.func @transform_5(%arg0: i32) -> (i32, i32) {
    %c0_i32 = arith.constant 0 : i32
    %c0_i32_0 = arith.constant 0 : i32
    %c0_i32_1 = arith.constant 0 : i32
    return %c0_i32, %c0_i32_0 : i32, i32
  }
  func.func @transform_6(%arg0: i32) -> (i32, i32) {
    %c0_i32 = arith.constant 0 : i32
    %c0_i32_0 = arith.constant 0 : i32
    %c0_i32_1 = arith.constant 0 : i32
    return %c0_i32, %c0_i32_0 : i32, i32
  }
  func.func @transform_7(%arg0: i32) -> (i32, i32) {
    %c0_i32 = arith.constant 0 : i32
    %c0_i32_0 = arith.constant 0 : i32
    %c0_i32_1 = arith.constant 0 : i32
    return %c0_i32, %c0_i32_0 : i32, i32
  }
  func.func @transform_8(%arg0: i32) -> (i32, i32) {
    %c0_i32 = arith.constant 0 : i32
    %c0_i32_0 = arith.constant 0 : i32
    %c0_i32_1 = arith.constant 0 : i32
    return %c0_i32, %c0_i32_0 : i32, i32
  }
  func.func @transform_9(%arg0: i32) -> (i32, i32) {
    %c0_i32 = arith.constant 0 : i32
    %c0_i32_0 = arith.constant 0 : i32
    %c0_i32_1 = arith.constant 0 : i32
    return %c0_i32, %c0_i32_0 : i32, i32
  }
  func.func @transform_10(%arg0: i32) -> (i32, i32) {
    %c0_i32 = arith.constant 0 : i32
    %c0_i32_0 = arith.constant 0 : i32
    return %arg0, %c0_i32 : i32, i32
  }
}

</mosaic_0001>

<sc_bundles>
// kernel: kernel.4.cloned.1.call-start
scs
__scs_entry_jumppad:
0x0: {  	(pc) =	sbr.rel $0x88, $3  }
0x1: {  	(tag) =	ssettag $0x0;
	lr =	simm.s32 $0x1  }
0x2: {  	[smem:$0x3F96] =	sst lr;
	_ =	strace $0xD0000000  }
0x3: {  	_ = 	snop  }
0x4: {  	_ = 	snop  }
0x5: {  	_ = 	snop  }
0x6: {  	_ = 	snop  }
0x7: {  	_ = 	snop  }
__scs_overlays_trampoline_lowered:
0x8: {  	[smem:$0x3FA5] =	sst s0  }
0x9: {  	[smem:$0x3FA6] =	sst s1  }
0xa: {  	[smem:$0x3FA7] =	sst s2  }
0xb: {  	[smem:$0x3FA8] =	sst s3  }
0xc: {  	[smem:$0x3FA9] =	sst s4  }
0xd: {  	[smem:$0x3FAA] =	sst s5  }
0xe: {  	[smem:$0x3FAB] =	sst s6  }
0xf: {  	[smem:$0x3FAC] =	sst s7  }
0x10: {  	[smem:$0x3FAD] =	sst s8  }
0x11: {  	[smem:$0x3FAE] =	sst s9;
	s0 =	simm.s32 @!p0 $0x0  }
0x12: {  	s1 =	sld [smem:$0x3F94];
	s0 =	simm.s32 @p0 $0x1  }
0x13: {  	[smem:$0x3FAF] =	sst s0;
	s0 =	simm.s32 @!p1 $0x0  }
0x14: {  	s2 =	sld [smem:$0x3F93];
	s0 =	simm.s32 @p1 $0x1  }
0x15: {  	[smem:$0x3FB0] =	sst s0;
	s0 =	simm.s32 @!p2 $0x0  }
0x16: {  	s3 =	sld [smem:$0x3FDB];
	s0 =	simm.s32 @p2 $0x1  }
0x17: {  	s4 =	simm.s32 $0x1BF5;
	[smem:$0x3FB2] =	sst s0  }
0x18: {  	s0 =	sld [smem:$0x3F95];
	_ =	swait.ge [sflag:s4], $0x0  }
0x19: {  	s7 =	sld [smem:$0x3F96]  }
0x1a: {  	s8 =	sadd.s32 $0xFFFFE003, lr  }
0x1b: {  	s9 =	sadd.s32 $0xFFFFFEF7, lr;
	s5 =	simm.s32 $0xFFFFFFFF;
	p2 =	slt.u32 s8, $0xFFFFF086  }
0x1c: {  	p1 =	slt.u32 s9, $0xF7A;
	s5 =	simm.s32 @!p2 $0x0  }
0x1d: {  	s5 =	simm.s32 @p1 $0x1;
	p0 =	seq.s32 s7, s2  }
0x1e: {  	s7 =	smul.u32 @!p0 $0xF7A, s2;
	p2 =	seq.s32 @!p0 s5, $0x0  }
0x1f: {  	s9 =	smul.u32 $0xF7A, s1;
	s8 =	simm.s32 @!p0 $0x1BF5;
	p2 =	por !p2, p0  }
0x20: {  	[sflag:s8] =	ssyncset.s32 @!p0 $0xFFFFF086;
	s6 =	sadd.s32 @!p0 s3, s7;
	s7 =	simm.s32 @!p0 $0x108  }
0x21: {  	s3 =	sadd.s32 s3, s9;
	s6 =	sadd.s32 @!p0 $0x88, s6;
	s7 =	simm.s32 @p2 $0x1082  }
0x22: {  	[simem:s7], [sflag:s8] =	dma.local @!p0 [hbm:s6], $0xF7A  }
0x23: {  	s9 =	sor.u32 $0xD0000000, s2;
	s6 =	simm.s32 $0x108;
	_ =	swait.ge @!p0 [sflag:s8], $0x0  }
0x24: {  	s3 =	sadd.s32 $0x88, s3;
	s6 =	simm.s32 @!p1 $0x1082;
	[sflag:s4] =	ssyncset.s32 $0xFFFFF086  }
0x25: {  	[simem:s6], [sflag:s4] =	dma.local [hbm:s3], $0xF7A  }
0x26: {  	[smem:$0x3F96] =	sst s1;
	(tag) =	ssettag s2;
	_ =	strace s9  }
0x27: {  	s1 =	sld [smem:$0x3FA6]  }
0x28: {  	s2 =	sld [smem:$0x3FA7]  }
0x29: {  	s4 =	sld [smem:$0x3FA9]  }
0x2a: {  	p0 =	seq.s32 s5, $0x0;
	s5 =	sld [smem:$0x3FAA]  }
0x2b: {  	s6 =	sld [smem:$0x3FAB]  }
0x2c: {  	s7 =	sld [smem:$0x3FAC]  }
0x2d: {  	s3 =	simm.s32 $0x108;
	s8 =	sld [smem:$0x3FAD]  }
0x2e: {  	s3 =	simm.s32 @!p0 $0x1082;
	s9 =	sld [smem:$0x3FAE]  }
0x2f: {  	lr =	sadd.s32 s0, s3;
	s0 =	sld [smem:$0x3FA5]  }
0x30: {  	s3 =	sld [smem:$0x3FA8]  }
0x31: {  	[smem:$0x3FB1] =	sst s10  }
0x32: {  	s10 =	sld [smem:$0x3FAF];
	_ =	sdelay $0x3  }
0x33: {  	p0 =	seq.s32 s10, $0x1;
	s10 =	sld [smem:$0x3FB1];
	_ =	sdelay $0x3  }
0x34: {  	[smem:$0x3FB1] =	sst s10  }
0x35: {  	s10 =	sld [smem:$0x3FB0];
	_ =	sdelay $0x3  }
0x36: {  	p1 =	seq.s32 s10, $0x1;
	s10 =	sld [smem:$0x3FB1];
	_ =	sdelay $0x3  }
0x37: {  	[smem:$0x3FB1] =	sst s10  }
0x38: {  	s10 =	sld [smem:$0x3FB2]  }
0x39: {  	_ = 	snop;
	(pc) =	sbr.ind lr, $3  }
0x3a: {  	_ = 	snop  }
0x3b: {  	_ = 	snop  }
0x3c: {  	p2 =	seq.s32 s10, $0x1;
	s10 =	sld [smem:$0x3FB1]  }
0x3d: {  	_ =	shalt  }
0x3e: {  	_ =	shalt  }
0x3f: {  	_ =	shalt  }
0x40: {  	_ =	shalt  }
0x41: {  	_ =	shalt  }
0x42: {  	_ =	shalt  }
0x43: {  	_ =	shalt  }
0x44: {  	_ =	shalt  }
0x45: {  	_ =	shalt  }
0x46: {  	_ =	shalt  }
0x47: {  	_ =	shalt  }
0x48: {  	_ =	shalt  }
0x49: {  	_ =	shalt  }
0x4a: {  	_ =	shalt  }
0x4b: {  	_ =	shalt  }
0x4c: {  	_ =	shalt  }
0x4d: {  	_ =	shalt  }
0x4e: {  	_ =	shalt  }
0x4f: {  	_ =	shalt  }
0x50: {  	_ =	shalt  }
0x51: {  	_ =	shalt  }
0x52: {  	_ =	shalt  }
0x53: {  	_ =	shalt  }
0x54: {  	_ =	shalt  }
0x55: {  	_ =	shalt  }
0x56: {  	_ =	shalt  }
0x57: {  	_ =	shalt  }
0x58: {  	_ =	shalt  }
0x59: {  	_ =	shalt  }
0x5a: {  	_ =	shalt  }
0x5b: {  	_ =	shalt  }
0x5c: {  	_ =	shalt  }
0x5d: {  	_ =	shalt  }
0x5e: {  	_ =	shalt  }
0x5f: {  	_ =	shalt  }
0x60: {  	_ =	shalt  }
0x61: {  	_ =	shalt  }
0x62: {  	_ =	shalt  }
0x63: {  	_ =	shalt  }
0x64: {  	_ =	shalt  }
0x65: {  	_ =	shalt  }
0x66: {  	_ =	shalt  }
0x67: {  	_ =	shalt  }
0x68: {  	_ =	shalt  }
0x69: {  	_ =	shalt  }
0x6a: {  	_ =	shalt  }
0x6b: {  	_ =	shalt  }
0x6c: {  	_ =	shalt  }
0x6d: {  	_ =	shalt  }
0x6e: {  	_ =	shalt  }
0x6f: {  	_ =	shalt  }
0x70: {  	_ =	shalt  }
0x71: {  	_ =	shalt  }
0x72: {  	_ =	shalt  }
0x73: {  	_ =	shalt  }
0x74: {  	_ =	shalt  }
0x75: {  	_ =	shalt  }
0x76: {  	_ =	shalt  }
0x77: {  	_ =	shalt  }
0x78: {  	_ =	shalt  }
0x79: {  	_ =	shalt  }
0x7a: {  	_ =	shalt  }
0x7b: {  	_ =	shalt  }
0x7c: {  	_ =	shalt  }
0x7d: {  	_ =	shalt  }
0x7e: {  	_ =	shalt  }
0x7f: {  	_ =	shalt  }
0x80: {  	_ =	shalt  }
0x81: {  	_ =	shalt  }
0x82: {  	_ =	shalt  }
0x83: {  	_ =	shalt  }
0x84: {  	_ =	shalt  }
0x85: {  	_ =	shalt  }
0x86: {  	_ =	shalt  }
0x87: {  	_ =	shalt  }
.Lfunc_end0:
.L_simem_size_0:
called_computation_lowered:
.L_overlay_start_0:
0x88: {  	s2 =	sld [smem:$0x3FD9]  }
0x89: {  	s3 =	sld [smem:$0x3FFE];
	_ =	sdelay $0x1  }
0x8a: {  	s1 =	srdreg.scid  }
0x8b: {  	s0 =	sand.u32 $0x1, s1  }
0x8c: {  	s18 =	sshll.u32 s0, $0xA;
	s2 =	sadd.s32 s3, s2  }
0x8d: {  	s2 =	sadd.s32 s2, s18  }
0x8e: {  	[smem:$0x3FBD] =	sst s2  }
0x8f: {  	_ = 	snop  }
0x90: {  	s2 =	sld [smem:$0x3FC6]  }
0x91: {  	s19 =	sld [smem:$0x3FC1]  }
0x92: {  	s4 =	sld [smem:$0x3FD0];
	(tm) =	ssettm $0x1  }
0x93: {  	s5 =	sld [smem:$0x3FFB];
	_ =	sdelay $0x3  }
0x94: {  	_ =	strace s5  }
0x95: {  	s5 =	sld [smem:$0x3FFC];
	_ =	sdelay $0x3  }
0x96: {  	_ =	strace s5  }
0x97: {  	s5 =	sld [smem:$0x3FFD];
	_ =	sdelay $0x3  }
0x98: {  	_ =	strace s5  }
0x99: {  	_ =	strace $0x8FFFFFFF  }
0x9a: {  	s20 =	sld [smem:$0x3FDB];
	_ =	sdelay $0x1  }
0x9b: {  	s6 =	simm.s32 $_scs_section_size  }
0x9c: {  	s7 =	simm.s32 $_size__tile_overlayer_lowered;
	s8 =	simm.s32 $_tile_overlayer_lowered  }
0x9d: {  	s23 =	simm.s32 $0x1BFF;
	s22 =	sshll.u32 s8, $0x1;
	s5 =	sadd.s32 s6, s20  }
0x9e: {  	s9 =	simm.s32 $0x0;
	s21 =	sshll.u32 s7, $0x1;
	s7 =	sadd.s32 s22, s5  }
0x9f: {  	[timem:s9], [sflag:s23] =	dma.local [hbm:s7], s21  }
0xa0: {  	_ =	swait.ge [sflag:s23], s21  }
0xa1: {  	s6 =	ssub.s32 $0x0, s21;
	[sflag:s23] =	ssyncset.done $0x0  }
0xa2: {  	[sflag:s23] =	ssyncadd.s32 s6;
	_ =	sdelay $0x1  }
0xa3: {  	s24 =	simm.s32 $0x1B8B  }
0xa4: {  	_ =	swait.ge [sflag:s24], $0x1  }
0xa5: {  	[sflag:s24] =	ssyncset.done $0x0  }
0xa6: {  	s25 =	simm.s32 $0x1B8E;
	[sflag:s24] =	ssyncadd.s32 $0xFFFFFFFF  }
0xa7: {  	s26 =	simm.s32 $execute0_lowered;
	[smem:$0x3FD2] =	sst s25  }
0xa8: {  	s6 =	sshll.u32 s26, $0x1;
	_ =	strace $0x80000046;
	[dreg:$0x1] =	wrdreg $0xFFFFFFFF  }
0xa9: {  	s28 =	simm.s32 $_size_execute0_lowered;
	s5 =	sadd.s32 s5, s6;
	[dreg:$0x0] =	wrdreg $0x0  }
0xaa: {  	s6 =	sshll.u32 s28, $0x1;
	[dreg:$0x2] =	wrdreg s5  }
0xab: {  	[dreg:$0x3] =	wrdreg s6  }
0xac: {  	[dreg:$0x4] =	wrdreg $0xC0  }
0xad: {  	_ =	task [dreg:s9], $0x5FFFF  }
0xae: {  	[dreg:$0x1] =	wrdreg $0xFFFFFFFF  }
0xaf: {  	[dreg:$0x0] =	wrdreg $0x60  }
0xb0: {  	[dreg:$0x2] =	wrdreg s2  }
0xb1: {  	[dreg:$0x3] =	wrdreg s19  }
0xb2: {  	[dreg:$0x4] =	wrdreg s4  }
0xb3: {  	[dreg:$0x5] =	wrdreg $0x9  }
0xb4: {  	_ =	task.clear_ibuf [dreg:s9], $0x6FFFF;
	_ =	strace $0x90000046  }
0xb5: {  	s29 =	simm.s32 $0x9;
	_ =	strace $0x80000048  }
0xb6: {  	_ =	swait.ge [sflag:s29], $0x1  }
0xb7: {  	[sflag:s29] =	ssyncadd.s32 $0xFFFFFFFF  }
0xb8: {  	_ =	strace $0x90000048  }
0xb9: {  	_ =	sfence  }
0xba: {  	s30 =	sld [smem:$0x0];
	_ =	sdelay $0x2  }
0xbb: {  	s31 =	sshll.u32 s1, $0xD;
	s1 =	sshrl.u32 s1, $0x2  }
0xbc: {  	s3 =	sand.u32 $0x4000, s31;
	s1 =	sadd.s32 s1, s30  }
0xbd: {  	s0 =	sor.u32 s3, s0;
	s1 =	sshll.u32 s1, $0x11  }
0xbe: {  	s0 =	sor.u32 s1, s0  }
0xbf: {  	s0 =	sadd.s32 $0x8F2B, s0  }
0xc0: {  	[sflag:s0] =	ssyncadd.remote.s32 $0x1  }
0xc1: {  	_ =	sfence.sel $0xFFFF  }
0xc2: {  	[dreg:$0x0] =	wrdreg $0xFFFFFFFF;
	(pc) =	sbr.abs _section_cstart, $3  }
0xc3: {  	[dreg:$0x1] =	wrdreg $0xFFFFFFFF  }
0xc4: {  	_ =	task.clear_ibuf [dreg:s9], $0x2FFFF;
	_ =	strace $0x9FFFFFFF  }
0xc5: {  	(tm) =	ssettm $0x7FFFFFFF  }
tec
execute0_lowered:
.L_overlay_start_1:
0x0: {  	(tag) =	ssettag $0x1  }
0x1: {  	s4 =	rddreg [dreg:$0x0]  }
0x2: {  	s1 =	rddreg [dreg:$0x1]  }
0x3: {  	s12 =	rddreg [dreg:$0x2];
	s2 =	srdreg.scid  }
0x4: {  	s0 =	rddreg [dreg:$0x3];
	s21 =	sand.u32 $0x1, s2  }
0x5: {  	s3 =	simm.s32 $0x0;
	s2 =	stileid.u32;
	s5 =	sshll.u32 s21, $0x6  }
0x6: {  	[smem:$0x7FF] =	sst s3;
	s6 =	sshll.u32 s2, $0x7;
	s4 =	sadd.s32 s4, s5  }
0x7: {  	_ =	strace $0x80000047;
	s5 =	simm.s32 $0x5;
	s4 =	sadd.s32 s6, s4  }
0x8: {  	[tilespmem:s3], [sflag:$0x5] =	stream.linear.gather [hbm4b:s4+s3], $0x200, $0x38;
	[tilespmem:$0x10200] =	vst v63  }
0x9: {  	_ =	swait.ge [sflag:s5], $0x200  }
0xa: {  	[sflag:s5] =	ssyncset.done $0x0  }
0xb: {  	s7 =	simm.s32 $0x200;
	s6 =	simm.s32 $0x80;
	[sflag:s5] =	ssyncadd.s32 $0xFFFFFE00  }
0xc: {  	[tilespmem:s7], [sflag:$0x1] =	stream.indirect.gather [hbm4b:s1+s6], $0x80, s3, s6, $0xb8;
	[tilespmem:$0x10200] =	vst v63  }
0xd: {  	s8 =	simm.s32 $0x4200  }
0xe: {  	[tilespmem:s8], [sflag:$0x2] =	stream.indirect.gather [hbm4b:s1+s6], $0x80, s6, s6, $0xb8;
	[tilespmem:$0x10200] =	vst v63  }
0xf: {  	s9 =	simm.s32 $0x100;
	s10 =	simm.s32 $0x8200;
	s11 =	simm.s32 $0x1  }
0x10: {  	[tilespmem:s10], [sflag:$0x3] =	stream.indirect.gather [hbm4b:s1+s6], $0x80, s9, s6, $0xb8;
	[tilespmem:$0x10200] =	vst v63  }
0x11: {  	s13 =	sshll.u32 s2, $0xE;
	s14 =	sshll.u32 s21, $0xD;
	_ =	swait.ge [sflag:s11], $0x4000  }
0x12: {  	s13 =	sor.u32 s14, s13;
	[sflag:s11] =	ssyncset.done $0x0  }
0x13: {  	s12 =	sadd.s32 s12, s13;
	[sflag:s11] =	ssyncadd.s32 $0xFFFFC000  }
0x14: {  	[hbm4b:s12+s3] =	stream.linear.scatter [tilespmem:s7], [sflag:$0x1], $0x4000, $0x38;
	[tilespmem:$0x10200] =	vst v63  }
0x15: {  	s15 =	simm.s32 $0x2;
	s14 =	simm.s32 $0xC200;
	s13 =	simm.s32 $0x180  }
0x16: {  	[tilespmem:s14], [sflag:$0x4] =	stream.indirect.gather [hbm4b:s1+s6], $0x80, s13, s6, $0xb8;
	[tilespmem:$0x10200] =	vst v63  }
0x17: {  	_ =	swait.ge [sflag:s15], $0x4000  }
0x18: {  	[sflag:s15] =	ssyncset.done $0x0  }
0x19: {  	s17 =	simm.s32 $0x3;
	s16 =	sadd.s32 $0x800, s12;
	[sflag:s15] =	ssyncadd.s32 $0xFFFFC000  }
0x1a: {  	[hbm4b:s16+s3] =	stream.linear.scatter [tilespmem:s8], [sflag:$0x2], $0x4000, $0x38;
	[tilespmem:$0x10200] =	vst v63  }
0x1b: {  	_ =	swait.ge [sflag:s17], $0x4000  }
0x1c: {  	[sflag:s17] =	ssyncset.done $0x0  }
0x1d: {  	s18 =	simm.s32 $0x4;
	s19 =	sadd.s32 $0x1000, s12;
	[sflag:s17] =	ssyncadd.s32 $0xFFFFC000  }
0x1e: {  	[hbm4b:s19+s3] =	stream.linear.scatter [tilespmem:s10], [sflag:$0x3], $0x4000, $0x38;
	[tilespmem:$0x10200] =	vst v63  }
0x1f: {  	_ =	swait.ge [sflag:s18], $0x4000  }
0x20: {  	[sflag:s18] =	ssyncset.done $0x0  }
0x21: {  	s20 =	sadd.s32 $0x1800, s12;
	[sflag:s18] =	ssyncadd.s32 $0xFFFFC000  }
0x22: {  	[hbm4b:s20+s3] =	stream.linear.scatter [tilespmem:s14], [sflag:$0x4], $0x4000, $0x38;
	[tilespmem:$0x10200] =	vst v63  }
0x23: {  	_ =	swait.ge [sflag:s11], $0x4000  }
0x24: {  	s21 =	ssub.s32 $0x2, s21;
	[sflag:s11] =	ssyncset.done $0x0  }
0x25: {  	s22 =	sshrl.u32 s21, $0x1;
	[sflag:s11] =	ssyncadd.s32 $0xFFFFC000  }
0x26: {  	s21 =	ssub.s32 s21, s22;
	_ =	swait.ge [sflag:s15], $0x4000  }
0x27: {  	s21 =	smax.u32 s21, $0x1;
	[sflag:s15] =	ssyncset.done $0x0  }
0x28: {  	p0 =	sne.s32 s21, $0x1;
	[sflag:s15] =	ssyncadd.s32 $0xFFFFC000  }
.Ltmp0:
0x29: {  	_ =	swait.ge [sflag:s17], $0x4000;
	(pc) =	sbr.rel @!p0 .LBB2_2-.Ltmp0, $4  }
0x2a: {  	[sflag:s17] =	ssyncset.done $0x0  }
0x2b: {  	[sflag:s17] =	ssyncadd.s32 $0xFFFFC000  }
0x2c: {  	_ =	swait.ge [sflag:s18], $0x4000  }
0x2d: {  	s21 =	sadd.s32 $0xFFFFFFFF, s21;
	[sflag:s18] =	ssyncset.done $0x0  }
.LBB2_1:
0x2e: {  	p0 =	sne.s32 s21, $0x1;
	s21 =	sadd.s32 $0xFFFFFFFF, s21;
	[sflag:s18] =	ssyncadd.s32 $0xFFFFC000  }
0x2f: {  	[tilespmem:s3], [sflag:$0x5] =	stream.linear.gather [hbm4b:s4+s3], $0x200, $0x38;
	[tilespmem:$0x10200] =	vst v63  }
0x30: {  	_ =	swait.ge [sflag:s5], $0x200  }
0x31: {  	[sflag:s5] =	ssyncset.done $0x0  }
0x32: {  	[sflag:s5] =	ssyncadd.s32 $0xFFFFFE00  }
0x33: {  	[tilespmem:s7], [sflag:$0x1] =	stream.indirect.gather [hbm4b:s1+s6], $0x80, s3, s6, $0xb8;
	[tilespmem:$0x10200] =	vst v63  }
0x34: {  	_ = 	snop  }
0x35: {  	[tilespmem:s8], [sflag:$0x2] =	stream.indirect.gather [hbm4b:s1+s6], $0x80, s6, s6, $0xb8;
	[tilespmem:$0x10200] =	vst v63  }
0x36: {  	_ = 	snop  }
0x37: {  	[tilespmem:s10], [sflag:$0x3] =	stream.indirect.gather [hbm4b:s1+s6], $0x80, s9, s6, $0xb8;
	[tilespmem:$0x10200] =	vst v63  }
0x38: {  	_ =	swait.ge [sflag:s11], $0x4000  }
0x39: {  	[sflag:s11] =	ssyncset.done $0x0  }
0x3a: {  	[sflag:s11] =	ssyncadd.s32 $0xFFFFC000  }
0x3b: {  	[hbm4b:s12+s3] =	stream.linear.scatter [tilespmem:s7], [sflag:$0x1], $0x4000, $0x38;
	[tilespmem:$0x10200] =	vst v63  }
0x3c: {  	_ = 	snop  }
0x3d: {  	[tilespmem:s14], [sflag:$0x4] =	stream.indirect.gather [hbm4b:s1+s6], $0x80, s13, s6, $0xb8;
	[tilespmem:$0x10200] =	vst v63  }
0x3e: {  	_ =	swait.ge [sflag:s15], $0x4000  }
0x3f: {  	[sflag:s15] =	ssyncset.done $0x0  }
0x40: {  	[sflag:s15] =	ssyncadd.s32 $0xFFFFC000  }
0x41: {  	[hbm4b:s16+s3] =	stream.linear.scatter [tilespmem:s8], [sflag:$0x2], $0x4000, $0x38;
	[tilespmem:$0x10200] =	vst v63  }
0x42: {  	_ =	swait.ge [sflag:s17], $0x4000  }
0x43: {  	[sflag:s17] =	ssyncset.done $0x0  }
0x44: {  	[sflag:s17] =	ssyncadd.s32 $0xFFFFC000  }
0x45: {  	[hbm4b:s19+s3] =	stream.linear.scatter [tilespmem:s10], [sflag:$0x3], $0x4000, $0x38;
	[tilespmem:$0x10200] =	vst v63  }
0x46: {  	_ =	swait.ge [sflag:s18], $0x4000  }
0x47: {  	[sflag:s18] =	ssyncset.done $0x0  }
0x48: {  	[sflag:s18] =	ssyncadd.s32 $0xFFFFC000  }
0x49: {  	[hbm4b:s20+s3] =	stream.linear.scatter [tilespmem:s14], [sflag:$0x4], $0x4000, $0x38;
	[tilespmem:$0x10200] =	vst v63  }
0x4a: {  	_ =	swait.ge [sflag:s11], $0x4000  }
0x4b: {  	[sflag:s11] =	ssyncset.done $0x0  }
0x4c: {  	[sflag:s11] =	ssyncadd.s32 $0xFFFFC000  }
0x4d: {  	_ =	swait.ge [sflag:s15], $0x4000  }
0x4e: {  	[sflag:s15] =	ssyncset.done $0x0  }
0x4f: {  	[sflag:s15] =	ssyncadd.s32 $0xFFFFC000  }
.Ltmp1:
0x50: {  	_ =	swait.ge [sflag:s17], $0x4000;
	(pc) =	sbr.rel @p0 .LBB2_1-.Ltmp1, $4  }
0x51: {  	[sflag:s17] =	ssyncset.done $0x0  }
0x52: {  	[sflag:s17] =	ssyncadd.s32 $0xFFFFC000  }
0x53: {  	_ =	swait.ge [sflag:s18], $0x4000  }
0x54: {  	[sflag:s18] =	ssyncset.done $0x0  }
.LBB2_2:
0x55: {  	[sflag:s18] =	ssyncadd.s32 $0xFFFFC000  }
0x56: {  	_ =	sfence.sel $0x180000  }
0x57: {  	[bflag:$0x0] =	sbarrier.arrive $0xFFFF  }
0x58: {  	p0 =	sne.s32 s2, $0x0;
	_ =	strace $0x90000047  }
0x59: {  	s0 =	sadd.s32 @!p0 $0x100000, s0;
	[bflag:$0x2] =	sbarrier.arrive $0xFFFF  }
0x5a: {  	[sflag:s0] =	ssyncadd.tile.s32 @!p0 $0x1;
	_ =	shalt  }
.Lfunc_end2:
_tile_overlayer_lowered:
.L_overlay_start_2:
0x5b: {  	(tag) =	ssettag $0x2  }
0x5c: {  	s0 =	rddreg [dreg:$0x0];
	s2 =	stileid.u32  }
0x5d: {  	s1 =	rddreg [dreg:$0x1];
	p0 =	sne.s32 s2, $0x0  }
0x5e: {  	s3 =	rddreg [dreg:$0x2];
	[bflag:$0x3] =	sbarrier.arrive $0xFFFF;
	s2 =	simm.s32 @!p0 $0x1C05  }
0x5f: {  	[timem:s3], [sflag:s2] =	dma.local @!p0 [hbm:s0], s1  }
0x60: {  	s0 =	simm.s32 @!p0 $0x5  }
0x61: {  	_ =	swait.ge @!p0 [sflag:s0], s1  }
0x62: {  	s1 =	ssub.s32 @!p0 $0x0, s1;
	[sflag:s0] =	ssyncset.done @!p0 $0x0  }
0x63: {  	[sflag:s0] =	ssyncadd.s32 @!p0 s1  }
0x64: {  	[bflag:$0x3] =	sbarrier.arrive $0xFFFF  }
0x65: {  	_ =	shalt  }

</sc_bundles>
